<compile_context>
chip_gen: v7x
topology: tpu7x:2x2x1
jax: 0.10.2.dev20260603
libtpu: 0.0.44.dev20260713+nightly
codegen_flags: <defaults>
</compile_context>

<pallas_src>
import functools

import jax
import jax.numpy as jnp
from jax import lax
from jax.experimental import pallas as pl
from jax.experimental.pallas import tpu as pltpu
from jax.experimental.pallas import tpu_sc as plsc

_NUM_QUESTION = 100000
_NUM_CONCEPT = 1000
_EMB_DIM = 128
_MAX_C = 4

_CPAD = 1008
_ZROW = _NUM_CONCEPT
_CTW = _CPAD * _EMB_DIM // 2

_NW = 32
_CH = 32
_CB = 400


def _bf16_table_body(tab_ref, out_ref):
    out_ref[...] = tab_ref[...].astype(jnp.bfloat16)


def _build_bf16_table(concept_padded):
    out = pl.pallas_call(
        _bf16_table_body,
        in_specs=[pl.BlockSpec((_CPAD, _EMB_DIM), lambda: (0, 0))],
        out_specs=pl.BlockSpec((_CPAD, _EMB_DIM), lambda: (0, 0)),
        out_shape=jax.ShapeDtypeStruct((_CPAD, _EMB_DIM), jnp.bfloat16),
    )(concept_padded)
    return lax.bitcast_convert_type(
        out.reshape(_CPAD, _EMB_DIM // 2, 2), jnp.int32).reshape(_CTW)


def _lane_gather(v, idx):
    return lax.gather(
        v, idx[:, None],
        lax.GatherDimensionNumbers(offset_dims=(), collapsed_slice_dims=(0,),
                                   start_index_map=(0,)),
        slice_sizes=(1,), mode=lax.GatherScatterMode.PROMISE_IN_BOUNDS)


def _make_sc_kernel(n_tokens):
    nt = n_tokens // _NW
    nchunk = nt // _CH
    mesh = plsc.VectorSubcoreMesh(core_axis_name="c", subcore_axis_name="s")

    @functools.partial(
        pl.kernel,
        mesh=mesh,
        compiler_params=pltpu.CompilerParams(use_tc_tiling_on_sc=False,
                                             needs_layout_passes=False),
        out_type=jax.ShapeDtypeStruct((n_tokens, 2 * _EMB_DIM), jnp.float32),
        scratch_types=[
            pltpu.VMEM((_CTW,), jnp.int32),
            pltpu.VMEM((nt,), jnp.int32),
            pltpu.VMEM((_CB, 16), jnp.int32),
            pltpu.VMEM((4 * nt + 16,), jnp.int32),
            pltpu.VMEM((4 * nt + 16,), jnp.float32),
            pltpu.VMEM((2, _CH, _EMB_DIM), jnp.float32),
            pltpu.VMEM((2, _CH, 2 * _EMB_DIM), jnp.float32),
            pltpu.SemaphoreType.DMA,
            pltpu.SemaphoreType.DMA,
            [pltpu.SemaphoreType.DMA] * 2,
            [pltpu.SemaphoreType.DMA] * 2,
            [pltpu.SemaphoreType.DMA] * 2,
        ],
    )
    def sc_kernel(qseq_hbm, combo_hbm, ctab_hbm, embq_hbm, out_hbm,
                  ctab_v, qidx_v, combo_v, eff_v, inv_v, qrows_v, fus_v,
                  csem, sem0, gsem_q, ssem_f, ssem_q):
        wid = lax.axis_index("s") * 2 + lax.axis_index("c")
        tbase = wid * nt
        lane = lax.iota(jnp.int32, 16)
        perm1 = lane ^ 1
        perm2 = lane ^ 2
        lt4 = lane < 4
        lt8 = lane < 8
        lt12 = lane < 12
        col_q = [16 * q + lane for q in range(4)]
        c0_q = [32 * q + 2 * lane for q in range(4)]
        c1_q = [32 * q + 2 * lane + 1 for q in range(4)]
        jfull = [jnp.full((16,), j, jnp.int32) for j in range(4)]
        zfull = jnp.full((16,), 0, jnp.int32)

        ctab_copy = pltpu.async_copy(ctab_hbm, ctab_v, csem)

        pltpu.sync_copy(qseq_hbm.at[pl.ds(tbase, nt)], qidx_v)

        for s in range(nt // _CB):
            pltpu.async_copy(
                combo_hbm.at[qidx_v.at[pl.ds(s * _CB, _CB)]], combo_v,
                sem0).wait()

            def grp_body(g, c2, s=s):
                v0 = combo_v[4 * g, :]
                v1 = combo_v[4 * g + 1, :]
                v2 = combo_v[4 * g + 2, :]
                v3 = combo_v[4 * g + 3, :]
                v = jnp.where(lt4, v0,
                              jnp.where(lt8, v1, jnp.where(lt12, v2, v3)))
                cid = v & 0xFFF
                m = lax.shift_right_logical(v, 12) & 1
                a = m + _lane_gather(m, perm1)
                cnt = a + _lane_gather(a, perm2)
                eff = jnp.where(m > 0, cid, jnp.full((16,), _ZROW, jnp.int32))
                eff_v[pl.ds(4 * _CB * s + 16 * g, 16)] = lax.shift_left(eff, 6)
                inv_v[pl.ds(4 * _CB * s + 16 * g, 16)] = (
                    1.0 / cnt.astype(jnp.float32))
                return c2

            lax.fori_loop(0, _CB // 4, grp_body, 0)

        ctab_copy.wait()

        def fire_gathers(ci, b):
            pltpu.async_copy(
                embq_hbm.at[qidx_v.at[pl.ds(ci * _CH, _CH)]],
                qrows_v.at[b], gsem_q[b])

        def drain_gathers(b):
            pltpu.make_async_copy(
                embq_hbm.at[qidx_v.at[pl.ds(0, _CH)]],
                qrows_v.at[b], gsem_q[b]).wait()

        def fire_scatters(ci, b):
            base = tbase + ci * _CH
            pltpu.async_copy(
                fus_v.at[b], out_hbm.at[pl.ds(base, _CH), :], ssem_f[b])

        def drain_scatters(b):
            pltpu.make_async_copy(
                fus_v.at[b], out_hbm.at[pl.ds(0, _CH), :],
                ssem_f[b]).wait()

        fire_gathers(0, 0)

        def outer_body(i2, carry):
            for b in (0, 1):
                ci = 2 * i2 + b
                nb = 1 - b
                if b == 0:
                    @pl.when(i2 >= 1)
                    def _():
                        drain_scatters(nb)
                    fire_gathers(ci + 1, nb)
                else:
                    drain_scatters(nb)

                    @pl.when(i2 < nchunk // 2 - 1)
                    def _():
                        fire_gathers(ci + 1, nb)

                def tok_body(t_loc, c2, b=b, ci=ci):
                    t4 = 4 * (ci * _CH + t_loc)
                    e16 = eff_v[pl.ds(t4, 16)]
                    i16 = inv_v[pl.ds(t4, 16)]
                    invb = _lane_gather(i16, zfull)
                    invpk = plsc.pack(invb, invb,
                                      format=plsc.PackFormat.INTERLEAVED)
                    rowf = jnp.full((16,), t_loc, jnp.int32)
                    wb = [_lane_gather(e16, jfull[j]) for j in range(4)]
                    for q in range(4):
                        acc = None
                        for j in range(4):
                            w = plsc.load_gather(ctab_v, [wb[j] + col_q[q]])
                            bfv = plsc.bitcast(w, jnp.bfloat16)
                            acc = bfv if acc is None else acc + bfv
                        acc = acc * invpk
                        f0, f1 = plsc.unpack(
                            acc, format=plsc.PackFormat.INTERLEAVED)
                        plsc.store_scatter(fus_v.at[b], [rowf, c0_q[q]], f0)
                        plsc.store_scatter(fus_v.at[b], [rowf, c1_q[q]], f1)
                    return c2

                drain_gathers(b)

                def qcopy_body(t_loc, c2, b=b):
                    for r in range(_EMB_DIM // 16):
                        sl = pl.ds(16 * r, 16)
                        fus_v[b, t_loc, pl.ds(_EMB_DIM + 16 * r, 16)] = (
                            qrows_v[b, t_loc, sl])
                    return c2

                lax.fori_loop(0, _CH, qcopy_body, 0)
                lax.fori_loop(0, _CH, tok_body, 0)
                fire_scatters(ci, b)
            return carry

        lax.fori_loop(0, nchunk // 2, outer_body, 0)
        drain_scatters(1)

    return sc_kernel


def kernel(question_seq, embed_question, embed_concept, q2c_table, q2c_mask):
    b, l = question_seq.shape
    n = b * l
    qseq = question_seq.astype(jnp.int32).reshape(n)

    concept_padded = jnp.pad(
        embed_concept.astype(jnp.float32),
        ((0, _CPAD - _NUM_CONCEPT), (0, 0)))
    ctab = _build_bf16_table(concept_padded)

    packed = (q2c_table.astype(jnp.int32) & 0xFFF) | (
        q2c_mask.astype(jnp.int32) << 12)
    combo = jnp.tile(packed, (1, 4))

    out = _make_sc_kernel(n)(qseq, combo, ctab,
                             embed_question.astype(jnp.float32))
    return out.reshape(b, l, 2 * _EMB_DIM)

# --- scband reference (transcript-rebuilt; emitter-appended) ---
"""Pipeline reference for scband-ktembed-layer-31421980737849 (READ-ONLY COPY).

The authoritative reference and input builder live on the scoring server;
editing this copy changes nothing except your own understanding.
"""

import jax, jax.numpy as jnp
import numpy as np

NUM_QUESTION = 100000
NUM_CONCEPT = 1000
EMB_DIM = 128
MAX_C = 4
BATCH = 1024
SEQ = 50


def setup_inputs(seed: int = 0) -> dict:
    key = jax.random.key(seed)
    k1, k2, k3, k4, k5 = jax.random.split(key, 5)
    question_seq = jax.random.randint(k1, (BATCH, SEQ), 0, NUM_QUESTION, dtype=jnp.int64)
    embed_question = jax.random.normal(k2, (NUM_QUESTION, EMB_DIM), dtype=jnp.float32)
    embed_concept = jax.random.normal(k3, (NUM_CONCEPT, EMB_DIM), dtype=jnp.float32)
    # question2concept_table: padded concept ids per question (derived from Q_table in the original)
    q2c_table = jax.random.randint(k4, (NUM_QUESTION, MAX_C), 0, NUM_CONCEPT, dtype=jnp.int64)
    # number of true concepts per question in [1, MAX_C]
    counts = jax.random.randint(k5, (NUM_QUESTION,), 1, MAX_C + 1, dtype=jnp.int64)
    q2c_mask = (jnp.arange(MAX_C, dtype=jnp.int64)[None, :] < counts[:, None]).astype(jnp.int64)
    return {
        "question_seq": question_seq,
        "embed_question": embed_question,
        "embed_concept": embed_concept,
        "q2c_table": q2c_table,
        "q2c_mask": q2c_mask,
    }


def reference(question_seq, embed_question, embed_concept, q2c_table, q2c_mask):
    # get_emb('question', question_seq)
    emb_question = jnp.take(embed_question, question_seq, axis=0)  # [B, L, D]
    # get_emb('concept', question2concept_table[question_seq])
    concept_ids = jnp.take(q2c_table, question_seq, axis=0)        # [B, L, MAX_C]
    emb_concept = jnp.take(embed_concept, concept_ids, axis=0)     # [B, L, MAX_C, D]
    mask_concept = jnp.take(q2c_mask, question_seq, axis=0)        # [B, L, MAX_C]
    # concept_fusion == 'mean'
    mask_f = mask_concept.astype(emb_concept.dtype)
    emb_concept_fusion = (emb_concept * mask_f[..., None]).sum(-2)
    emb_concept_fusion = emb_concept_fusion / mask_f.sum(-1)[..., None]
    return jnp.concatenate((emb_concept_fusion, emb_question), axis=-1)

if __name__ == "__main__":
    import jax
    _d = setup_inputs()
    print(jax.jit(kernel)(*tuple(_d.values())))

</pallas_src>

<mosaic_0001>
#map = affine_map<(d0, d1) -> (0)>
#map1 = affine_map<(d0, d1) -> (0, 0)>
module attributes {stable_mosaic.version = 14 : i64} {
  func.func @sc_kernel(%arg0: i32, %arg1: i32, %arg2: memref<51200xi32, #tpu.memory_space<hbm>>, %arg3: memref<100000x16xi32, #tpu.memory_space<hbm>>, %arg4: memref<64512xi32, #tpu.memory_space<hbm>>, %arg5: memref<100000x128xf32, #tpu.memory_space<hbm>>, %arg6: memref<51200x256xf32, #tpu.memory_space<hbm>>, %arg7: memref<64512xi32, #tpu.memory_space<vmem>>, %arg8: memref<1600xi32, #tpu.memory_space<vmem>>, %arg9: memref<400x16xi32, #tpu.memory_space<vmem>>, %arg10: memref<6416xi32, #tpu.memory_space<vmem>>, %arg11: memref<6416xf32, #tpu.memory_space<vmem>>, %arg12: memref<2x32x128xf32, #tpu.memory_space<vmem>>, %arg13: memref<2x32x256xf32, #tpu.memory_space<vmem>>, %arg14: memref<!tpu.dma_semaphore, #tpu.memory_space<semaphore_mem>>, %arg15: memref<!tpu.dma_semaphore, #tpu.memory_space<semaphore_mem>>, %arg16: memref<!tpu.dma_semaphore, #tpu.memory_space<semaphore_mem>>, %arg17: memref<!tpu.dma_semaphore, #tpu.memory_space<semaphore_mem>>, %arg18: memref<!tpu.dma_semaphore, #tpu.memory_space<semaphore_mem>>, %arg19: memref<!tpu.dma_semaphore, #tpu.memory_space<semaphore_mem>>, %arg20: memref<!tpu.dma_semaphore, #tpu.memory_space<semaphore_mem>>, %arg21: memref<!tpu.dma_semaphore, #tpu.memory_space<semaphore_mem>>) attributes {dimension_semantics = [#tpu.dimension_semantics<core_parallel>, #tpu.dimension_semantics<subcore_parallel>], iteration_bounds = array<i64: 2, 16>, scalar_prefetch = 0 : i64, scratch_operands = 15 : i64, tpu.core_type = #tpu.core_type<sc_vector_subcore>, window_params = [{transform_indices = #map}, {transform_indices = #map1}, {transform_indices = #map}, {transform_indices = #map1}, {transform_indices = #map1}]} {
    %mul3A = arith.constant 2 : i32
    %mul3A_0 = arith.muli %arg1, %mul3A : i32
    %add3A = arith.addi %mul3A_0, %arg0 : i32
    %mul3A_1 = arith.constant 1600 : i32
    %mul3A_2 = arith.muli %add3A, %mul3A_1 : i32
    %iota3A = tpu.iota {dimensions = array<i32: 0>} : vector<16xi32>
    %xor3A = arith.constant 1 : i32
    %xor3A_3 = vector.broadcast %xor3A : i32 to vector<16xi32>
    %xor3A_4 = arith.xori %iota3A, %xor3A_3 : vector<16xi32>
    %xor3A_5 = arith.constant 2 : i32
    %xor3A_6 = vector.broadcast %xor3A_5 : i32 to vector<16xi32>
    %xor3A_7 = arith.xori %iota3A, %xor3A_6 : vector<16xi32>
    %lt3A = arith.constant 4 : i32
    %lt3A_8 = vector.broadcast %lt3A : i32 to vector<16xi32>
    %lt3A_9 = arith.cmpi slt, %iota3A, %lt3A_8 : vector<16xi32>
    %lt3A_10 = arith.constant 8 : i32
    %lt3A_11 = vector.broadcast %lt3A_10 : i32 to vector<16xi32>
    %lt3A_12 = arith.cmpi slt, %iota3A, %lt3A_11 : vector<16xi32>
    %lt3A_13 = arith.constant 12 : i32
    %lt3A_14 = vector.broadcast %lt3A_13 : i32 to vector<16xi32>
    %lt3A_15 = arith.cmpi slt, %iota3A, %lt3A_14 : vector<16xi32>
    %add3A_16 = arith.constant 0 : i32
    %add3A_17 = vector.broadcast %add3A_16 : i32 to vector<16xi32>
    %add3A_18 = arith.addi %add3A_17, %iota3A : vector<16xi32>
    %add3A_19 = arith.constant 16 : i32
    %add3A_20 = vector.broadcast %add3A_19 : i32 to vector<16xi32>
    %add3A_21 = arith.addi %add3A_20, %iota3A : vector<16xi32>
    %add3A_22 = arith.constant 32 : i32
    %add3A_23 = vector.broadcast %add3A_22 : i32 to vector<16xi32>
    %add3A_24 = arith.addi %add3A_23, %iota3A : vector<16xi32>
    %add3A_25 = arith.constant 48 : i32
    %add3A_26 = vector.broadcast %add3A_25 : i32 to vector<16xi32>
    %add3A_27 = arith.addi %add3A_26, %iota3A : vector<16xi32>
    %mul3A_28 = arith.constant 2 : i32
    %mul3A_29 = vector.broadcast %mul3A_28 : i32 to vector<16xi32>
    %mul3A_30 = arith.muli %mul3A_29, %iota3A : vector<16xi32>
    %add3A_31 = arith.constant 0 : i32
    %add3A_32 = vector.broadcast %add3A_31 : i32 to vector<16xi32>
    %add3A_33 = arith.addi %add3A_32, %mul3A_30 : vector<16xi32>
    %mul3A_34 = arith.constant 2 : i32
    %mul3A_35 = vector.broadcast %mul3A_34 : i32 to vector<16xi32>
    %mul3A_36 = arith.muli %mul3A_35, %iota3A : vector<16xi32>
    %add3A_37 = arith.constant 32 : i32
    %add3A_38 = vector.broadcast %add3A_37 : i32 to vector<16xi32>
    %add3A_39 = arith.addi %add3A_38, %mul3A_36 : vector<16xi32>
    %mul3A_40 = arith.constant 2 : i32
    %mul3A_41 = vector.broadcast %mul3A_40 : i32 to vector<16xi32>
    %mul3A_42 = arith.muli %mul3A_41, %iota3A : vector<16xi32>
    %add3A_43 = arith.constant 64 : i32
    %add3A_44 = vector.broadcast %add3A_43 : i32 to vector<16xi32>
    %add3A_45 = arith.addi %add3A_44, %mul3A_42 : vector<16xi32>
    %mul3A_46 = arith.constant 2 : i32
    %mul3A_47 = vector.broadcast %mul3A_46 : i32 to vector<16xi32>
    %mul3A_48 = arith.muli %mul3A_47, %iota3A : vector<16xi32>
    %add3A_49 = arith.constant 96 : i32
    %add3A_50 = vector.broadcast %add3A_49 : i32 to vector<16xi32>
    %add3A_51 = arith.addi %add3A_50, %mul3A_48 : vector<16xi32>
    %mul3A_52 = arith.constant 2 : i32
    %mul3A_53 = vector.broadcast %mul3A_52 : i32 to vector<16xi32>
    %mul3A_54 = arith.muli %mul3A_53, %iota3A : vector<16xi32>
    %add3A_55 = arith.constant 0 : i32
    %add3A_56 = vector.broadcast %add3A_55 : i32 to vector<16xi32>
    %add3A_57 = arith.addi %add3A_56, %mul3A_54 : vector<16xi32>
    %add3A_58 = arith.constant 1 : i32
    %add3A_59 = vector.broadcast %add3A_58 : i32 to vector<16xi32>
    %add3A_60 = arith.addi %add3A_57, %add3A_59 : vector<16xi32>
    %mul3A_61 = arith.constant 2 : i32
    %mul3A_62 = vector.broadcast %mul3A_61 : i32 to vector<16xi32>
    %mul3A_63 = arith.muli %mul3A_62, %iota3A : vector<16xi32>
    %add3A_64 = arith.constant 32 : i32
    %add3A_65 = vector.broadcast %add3A_64 : i32 to vector<16xi32>
    %add3A_66 = arith.addi %add3A_65, %mul3A_63 : vector<16xi32>
    %add3A_67 = arith.constant 1 : i32
    %add3A_68 = vector.broadcast %add3A_67 : i32 to vector<16xi32>
    %add3A_69 = arith.addi %add3A_66, %add3A_68 : vector<16xi32>
    %mul3A_70 = arith.constant 2 : i32
    %mul3A_71 = vector.broadcast %mul3A_70 : i32 to vector<16xi32>
    %mul3A_72 = arith.muli %mul3A_71, %iota3A : vector<16xi32>
    %add3A_73 = arith.constant 64 : i32
    %add3A_74 = vector.broadcast %add3A_73 : i32 to vector<16xi32>
    %add3A_75 = arith.addi %add3A_74, %mul3A_72 : vector<16xi32>
    %add3A_76 = arith.constant 1 : i32
    %add3A_77 = vector.broadcast %add3A_76 : i32 to vector<16xi32>
    %add3A_78 = arith.addi %add3A_75, %add3A_77 : vector<16xi32>
    %mul3A_79 = arith.constant 2 : i32
    %mul3A_80 = vector.broadcast %mul3A_79 : i32 to vector<16xi32>
    %mul3A_81 = arith.muli %mul3A_80, %iota3A : vector<16xi32>
    %add3A_82 = arith.constant 96 : i32
    %add3A_83 = vector.broadcast %add3A_82 : i32 to vector<16xi32>
    %add3A_84 = arith.addi %add3A_83, %mul3A_81 : vector<16xi32>
    %add3A_85 = arith.constant 1 : i32
    %add3A_86 = vector.broadcast %add3A_85 : i32 to vector<16xi32>
    %add3A_87 = arith.addi %add3A_84, %add3A_86 : vector<16xi32>
    %broadcast_in_dim3A = arith.constant 0 : i32
    %broadcast_in_dim3A_88 = vector.broadcast %broadcast_in_dim3A : i32 to vector<16xi32>
    %broadcast_in_dim3A_89 = arith.constant 1 : i32
    %broadcast_in_dim3A_90 = vector.broadcast %broadcast_in_dim3A_89 : i32 to vector<16xi32>
    %broadcast_in_dim3A_91 = arith.constant 2 : i32
    %broadcast_in_dim3A_92 = vector.broadcast %broadcast_in_dim3A_91 : i32 to vector<16xi32>
    %broadcast_in_dim3A_93 = arith.constant 3 : i32
    %broadcast_in_dim3A_94 = vector.broadcast %broadcast_in_dim3A_93 : i32 to vector<16xi32>
    %broadcast_in_dim3A_95 = arith.constant 0 : i32
    %broadcast_in_dim3A_96 = vector.broadcast %broadcast_in_dim3A_95 : i32 to vector<16xi32>
    tpu.enqueue_dma source(%arg4 : memref<64512xi32, #tpu.memory_space<hbm>>) target(%arg7 : memref<64512xi32, #tpu.memory_space<vmem>>) target_semaphore(%arg14 : memref<!tpu.dma_semaphore, #tpu.memory_space<semaphore_mem>>)
    "tpu.region"() ({
      %run_scoped3A = tpu.sem_alloc : memref<!tpu.dma_semaphore, #tpu.memory_space<semaphore_mem>>
      %dma_start3A_189 = tpu.memref_slice %arg2[%mul3A_2] : memref<51200xi32, #tpu.memory_space<hbm>> -> memref<1600xi32, #tpu.memory_space<hbm>>
      %dma_start3A_190 = tpu.memref_slice %arg2[%mul3A_2] : memref<51200xi32, #tpu.memory_space<hbm>> -> memref<1600xi32, #tpu.memory_space<hbm>>
      tpu.enqueue_dma source(%dma_start3A_190 : memref<1600xi32, #tpu.memory_space<hbm>>) target(%arg8 : memref<1600xi32, #tpu.memory_space<vmem>>) target_semaphore(%run_scoped3A : memref<!tpu.dma_semaphore, #tpu.memory_space<semaphore_mem>>)
      %dma_wait3A_191 = tpu.memref_slice %arg2[%mul3A_2] : memref<51200xi32, #tpu.memory_space<hbm>> -> memref<1600xi32, #tpu.memory_space<hbm>>
      %dma_wait3A_192 = tpu.memref_slice %arg2[%mul3A_2] : memref<51200xi32, #tpu.memory_space<hbm>> -> memref<1600xi32, #tpu.memory_space<hbm>>
      tpu.wait_dma2 semaphore(%run_scoped3A : memref<!tpu.dma_semaphore, #tpu.memory_space<semaphore_mem>>) src(%dma_wait3A_192 : memref<1600xi32, #tpu.memory_space<hbm>>) dst(%arg8 : memref<1600xi32, #tpu.memory_space<vmem>>)
      tpu.yield
    }) : () -> ()
    %dma_start3A = arith.constant 0 : i32
    %dma_start3A_97 = tpu.memref_slice %arg8[%dma_start3A] : memref<1600xi32, #tpu.memory_space<vmem>> -> memref<400xi32, #tpu.memory_space<vmem>>
    %dma_start3A_98 = arith.constant 0 : i32
    %dma_start3A_99 = arith.constant 0 : i32
    %dma_start3A_100 = tpu.memref_slice %arg3[%dma_start3A_98, %dma_start3A_99] : memref<100000x16xi32, #tpu.memory_space<hbm>> -> memref<100000x16xi32, #tpu.memory_space<hbm>>
    tpu.enqueue_indirect_dma source(%dma_start3A_100 : memref<100000x16xi32, #tpu.memory_space<hbm>>) target(%arg9 : memref<400x16xi32, #tpu.memory_space<vmem>>) offsets(%dma_start3A_97 : memref<400xi32, #tpu.memory_space<vmem>>) semaphore(%arg15 : memref<!tpu.dma_semaphore, #tpu.memory_space<semaphore_mem>>)
    %dma_wait3A = arith.constant 0 : i32
    %dma_wait3A_101 = tpu.memref_slice %arg8[%dma_wait3A] : memref<1600xi32, #tpu.memory_space<vmem>> -> memref<400xi32, #tpu.memory_space<vmem>>
    %dma_wait3A_102 = arith.constant 0 : i32
    %dma_wait3A_103 = arith.constant 0 : i32
    %dma_wait3A_104 = tpu.memref_slice %arg3[%dma_wait3A_102, %dma_wait3A_103] : memref<100000x16xi32, #tpu.memory_space<hbm>> -> memref<100000x16xi32, #tpu.memory_space<hbm>>
    tpu.wait_indirect_dma semaphore(%arg15 : memref<!tpu.dma_semaphore, #tpu.memory_space<semaphore_mem>>) src(%dma_wait3A_104 : memref<100000x16xi32, #tpu.memory_space<hbm>>) dst(%arg9 : memref<400x16xi32, #tpu.memory_space<vmem>>)
    %scan3A = arith.constant 0 : i32
    %scan3A_105 = arith.constant 0 : i32
    %scan3A_106 = arith.constant 100 : i32
    %scan3A_107 = arith.addi %scan3A_105, %scan3A_106 : i32
    %scan3A_108 = arith.constant 1 : i32
    scf.for %scan3A_189 = %scan3A_105 to %scan3A_107 step %scan3A_108  : i32 {
      %mul3A_190 = arith.constant 4 : i32
      %mul3A_191 = arith.muli %mul3A_190, %scan3A_189 : i32
      %get3A = arith.index_cast %mul3A_191 : i32 to index
      %get3A_192 = arith.constant 0 : index
      %get3A_193 = tpu.vector_load %arg9[%get3A, %get3A_192] {strides = array<i32>} : memref<400x16xi32, #tpu.memory_space<vmem>>, vector<16xi32>,
      %mul3A_194 = arith.constant 4 : i32
      %mul3A_195 = arith.muli %mul3A_194, %scan3A_189 : i32
      %add3A_196 = arith.constant 1 : i32
      %add3A_197 = arith.addi %mul3A_195, %add3A_196 : i32
      %get3A_198 = arith.index_cast %add3A_197 : i32 to index
      %get3A_199 = arith.constant 0 : index
      %get3A_200 = tpu.vector_load %arg9[%get3A_198, %get3A_199] {strides = array<i32>} : memref<400x16xi32, #tpu.memory_space<vmem>>, vector<16xi32>,
      %mul3A_201 = arith.constant 4 : i32
      %mul3A_202 = arith.muli %mul3A_201, %scan3A_189 : i32
      %add3A_203 = arith.constant 2 : i32
      %add3A_204 = arith.addi %mul3A_202, %add3A_203 : i32
      %get3A_205 = arith.index_cast %add3A_204 : i32 to index
      %get3A_206 = arith.constant 0 : index
      %get3A_207 = tpu.vector_load %arg9[%get3A_205, %get3A_206] {strides = array<i32>} : memref<400x16xi32, #tpu.memory_space<vmem>>, vector<16xi32>,
      %mul3A_208 = arith.constant 4 : i32
      %mul3A_209 = arith.muli %mul3A_208, %scan3A_189 : i32
      %add3A_210 = arith.constant 3 : i32
      %add3A_211 = arith.addi %mul3A_209, %add3A_210 : i32
      %get3A_212 = arith.index_cast %add3A_211 : i32 to index
      %get3A_213 = arith.constant 0 : index
      %get3A_214 = tpu.vector_load %arg9[%get3A_212, %get3A_213] {strides = array<i32>} : memref<400x16xi32, #tpu.memory_space<vmem>>, vector<16xi32>,
      %select_n3A = arith.select %lt3A_15, %get3A_207, %get3A_214 : vector<16xi1>, vector<16xi32>
      %select_n3A_215 = arith.select %lt3A_12, %get3A_200, %select_n3A : vector<16xi1>, vector<16xi32>
      %select_n3A_216 = arith.select %lt3A_9, %get3A_193, %select_n3A_215 : vector<16xi1>, vector<16xi32>
      %and3A = arith.constant 4095 : i32
      %and3A_217 = vector.broadcast %and3A : i32 to vector<16xi32>
      %and3A_218 = arith.andi %select_n3A_216, %and3A_217 : vector<16xi32>
      %shift_right_logical3A = arith.constant 12 : i32
      %shift_right_logical3A_219 = vector.broadcast %shift_right_logical3A : i32 to vector<16xi32>
      %shift_right_logical3A_220 = arith.shrui %select_n3A_216, %shift_right_logical3A_219 : vector<16xi32>
      %and3A_221 = arith.constant 1 : i32
      %and3A_222 = vector.broadcast %and3A_221 : i32 to vector<16xi32>
      %and3A_223 = arith.andi %shift_right_logical3A_220, %and3A_222 : vector<16xi32>
      %broadcast_in_dim3A_224 = vector.shape_cast %xor3A_4 : vector<16xi32> to vector<16x1xi32>
      %gather3A = vector.shape_cast %broadcast_in_dim3A_224 : vector<16x1xi32> to vector<16xi32>
      %gather3A_225 = tpu.dynamic_gather %and3A_223[%gather3A] in [0] : vector<16xi32>, vector<16xi32> -> vector<16xi32>
      %add3A_226 = arith.addi %and3A_223, %gather3A_225 : vector<16xi32>
      %broadcast_in_dim3A_227 = vector.shape_cast %xor3A_7 : vector<16xi32> to vector<16x1xi32>
      %gather3A_228 = vector.shape_cast %broadcast_in_dim3A_227 : vector<16x1xi32> to vector<16xi32>
      %gather3A_229 = tpu.dynamic_gather %add3A_226[%gather3A_228] in [0] : vector<16xi32>, vector<16xi32> -> vector<16xi32>
      %add3A_230 = arith.addi %add3A_226, %gather3A_229 : vector<16xi32>
      %gt3A = arith.constant 0 : i32
      %gt3A_231 = vector.broadcast %gt3A : i32 to vector<16xi32>
      %gt3A_232 = arith.cmpi sgt, %and3A_223, %gt3A_231 : vector<16xi32>
      %broadcast_in_dim3A_233 = arith.constant 1000 : i32
      %broadcast_in_dim3A_234 = vector.broadcast %broadcast_in_dim3A_233 : i32 to vector<16xi32>
      %select_n3A_235 = arith.select %gt3A_232, %and3A_218, %broadcast_in_dim3A_234 : vector<16xi1>, vector<16xi32>
      %shift_left3A = arith.constant 6 : i32
      %shift_left3A_236 = vector.broadcast %shift_left3A : i32 to vector<16xi32>
      %shift_left3A_237 = arith.shli %select_n3A_235, %shift_left3A_236 : vector<16xi32>
      %mul3A_238 = arith.constant 16 : i32
      %mul3A_239 = arith.muli %mul3A_238, %scan3A_189 : i32
      %add3A_240 = arith.constant 0 : i32
      %add3A_241 = arith.addi %add3A_240, %mul3A_239 : i32
      %swap3A = arith.index_cast %add3A_241 : i32 to index
      %swap3A_242 = tpu.vector_load %arg10[%swap3A] {strides = array<i32>} : memref<6416xi32, #tpu.memory_space<vmem>>, vector<16xi32>,
      tpu.vector_store %arg10[%swap3A], %shift_left3A_237 {strides = array<i32>} : memref<6416xi32, #tpu.memory_space<vmem>>, vector<16xi32>,
      %convert_element_type3A = arith.sitofp %add3A_230 : vector<16xi32> to vector<16xf32>
      %div3A = arith.constant 1.000000e+00 : f32
      %div3A_243 = vector.broadcast %div3A : f32 to vector<16xf32>
      %div3A_244 = arith.divf %div3A_243, %convert_element_type3A : vector<16xf32>
      %mul3A_245 = arith.constant 16 : i32
      %mul3A_246 = arith.muli %mul3A_245, %scan3A_189 : i32
      %add3A_247 = arith.constant 0 : i32
      %add3A_248 = arith.addi %add3A_247, %mul3A_246 : i32
      %swap3A_249 = arith.index_cast %add3A_248 : i32 to index
      %swap3A_250 = tpu.vector_load %arg11[%swap3A_249] {strides = array<i32>} : memref<6416xf32, #tpu.memory_space<vmem>>, vector<16xf32>,
      tpu.vector_store %arg11[%swap3A_249], %div3A_244 {strides = array<i32>} : memref<6416xf32, #tpu.memory_space<vmem>>, vector<16xf32>,
    }
    %scan3A_109 = arith.constant 100 : i32
    %dma_start3A_110 = arith.constant 400 : i32
    %dma_start3A_111 = tpu.memref_slice %arg8[%dma_start3A_110] : memref<1600xi32, #tpu.memory_space<vmem>> -> memref<400xi32, #tpu.memory_space<vmem>>
    %dma_start3A_112 = arith.constant 0 : i32
    %dma_start3A_113 = arith.constant 0 : i32
    %dma_start3A_114 = tpu.memref_slice %arg3[%dma_start3A_112, %dma_start3A_113] : memref<100000x16xi32, #tpu.memory_space<hbm>> -> memref<100000x16xi32, #tpu.memory_space<hbm>>
    tpu.enqueue_indirect_dma source(%dma_start3A_114 : memref<100000x16xi32, #tpu.memory_space<hbm>>) target(%arg9 : memref<400x16xi32, #tpu.memory_space<vmem>>) offsets(%dma_start3A_111 : memref<400xi32, #tpu.memory_space<vmem>>) semaphore(%arg15 : memref<!tpu.dma_semaphore, #tpu.memory_space<semaphore_mem>>)
    %dma_wait3A_115 = arith.constant 400 : i32
    %dma_wait3A_116 = tpu.memref_slice %arg8[%dma_wait3A_115] : memref<1600xi32, #tpu.memory_space<vmem>> -> memref<400xi32, #tpu.memory_space<vmem>>
    %dma_wait3A_117 = arith.constant 0 : i32
    %dma_wait3A_118 = arith.constant 0 : i32
    %dma_wait3A_119 = tpu.memref_slice %arg3[%dma_wait3A_117, %dma_wait3A_118] : memref<100000x16xi32, #tpu.memory_space<hbm>> -> memref<100000x16xi32, #tpu.memory_space<hbm>>
    tpu.wait_indirect_dma semaphore(%arg15 : memref<!tpu.dma_semaphore, #tpu.memory_space<semaphore_mem>>) src(%dma_wait3A_119 : memref<100000x16xi32, #tpu.memory_space<hbm>>) dst(%arg9 : memref<400x16xi32, #tpu.memory_space<vmem>>)
    %scan3A_120 = arith.constant 0 : i32
    %scan3A_121 = arith.constant 0 : i32
    %scan3A_122 = arith.constant 100 : i32
    %scan3A_123 = arith.addi %scan3A_121, %scan3A_122 : i32
    %scan3A_124 = arith.constant 1 : i32
    scf.for %scan3A_189 = %scan3A_121 to %scan3A_123 step %scan3A_124  : i32 {
      %mul3A_190 = arith.constant 4 : i32
      %mul3A_191 = arith.muli %mul3A_190, %scan3A_189 : i32
      %get3A = arith.index_cast %mul3A_191 : i32 to index
      %get3A_192 = arith.constant 0 : index
      %get3A_193 = tpu.vector_load %arg9[%get3A, %get3A_192] {strides = array<i32>} : memref<400x16xi32, #tpu.memory_space<vmem>>, vector<16xi32>,
      %mul3A_194 = arith.constant 4 : i32
      %mul3A_195 = arith.muli %mul3A_194, %scan3A_189 : i32
      %add3A_196 = arith.constant 1 : i32
      %add3A_197 = arith.addi %mul3A_195, %add3A_196 : i32
      %get3A_198 = arith.index_cast %add3A_197 : i32 to index
      %get3A_199 = arith.constant 0 : index
      %get3A_200 = tpu.vector_load %arg9[%get3A_198, %get3A_199] {strides = array<i32>} : memref<400x16xi32, #tpu.memory_space<vmem>>, vector<16xi32>,
      %mul3A_201 = arith.constant 4 : i32
      %mul3A_202 = arith.muli %mul3A_201, %scan3A_189 : i32
      %add3A_203 = arith.constant 2 : i32
      %add3A_204 = arith.addi %mul3A_202, %add3A_203 : i32
      %get3A_205 = arith.index_cast %add3A_204 : i32 to index
      %get3A_206 = arith.constant 0 : index
      %get3A_207 = tpu.vector_load %arg9[%get3A_205, %get3A_206] {strides = array<i32>} : memref<400x16xi32, #tpu.memory_space<vmem>>, vector<16xi32>,
      %mul3A_208 = arith.constant 4 : i32
      %mul3A_209 = arith.muli %mul3A_208, %scan3A_189 : i32
      %add3A_210 = arith.constant 3 : i32
      %add3A_211 = arith.addi %mul3A_209, %add3A_210 : i32
      %get3A_212 = arith.index_cast %add3A_211 : i32 to index
      %get3A_213 = arith.constant 0 : index
      %get3A_214 = tpu.vector_load %arg9[%get3A_212, %get3A_213] {strides = array<i32>} : memref<400x16xi32, #tpu.memory_space<vmem>>, vector<16xi32>,
      %select_n3A = arith.select %lt3A_15, %get3A_207, %get3A_214 : vector<16xi1>, vector<16xi32>
      %select_n3A_215 = arith.select %lt3A_12, %get3A_200, %select_n3A : vector<16xi1>, vector<16xi32>
      %select_n3A_216 = arith.select %lt3A_9, %get3A_193, %select_n3A_215 : vector<16xi1>, vector<16xi32>
      %and3A = arith.constant 4095 : i32
      %and3A_217 = vector.broadcast %and3A : i32 to vector<16xi32>
      %and3A_218 = arith.andi %select_n3A_216, %and3A_217 : vector<16xi32>
      %shift_right_logical3A = arith.constant 12 : i32
      %shift_right_logical3A_219 = vector.broadcast %shift_right_logical3A : i32 to vector<16xi32>
      %shift_right_logical3A_220 = arith.shrui %select_n3A_216, %shift_right_logical3A_219 : vector<16xi32>
      %and3A_221 = arith.constant 1 : i32
      %and3A_222 = vector.broadcast %and3A_221 : i32 to vector<16xi32>
      %and3A_223 = arith.andi %shift_right_logical3A_220, %and3A_222 : vector<16xi32>
      %broadcast_in_dim3A_224 = vector.shape_cast %xor3A_4 : vector<16xi32> to vector<16x1xi32>
      %gather3A = vector.shape_cast %broadcast_in_dim3A_224 : vector<16x1xi32> to vector<16xi32>
      %gather3A_225 = tpu.dynamic_gather %and3A_223[%gather3A] in [0] : vector<16xi32>, vector<16xi32> -> vector<16xi32>
      %add3A_226 = arith.addi %and3A_223, %gather3A_225 : vector<16xi32>
      %broadcast_in_dim3A_227 = vector.shape_cast %xor3A_7 : vector<16xi32> to vector<16x1xi32>
      %gather3A_228 = vector.shape_cast %broadcast_in_dim3A_227 : vector<16x1xi32> to vector<16xi32>
      %gather3A_229 = tpu.dynamic_gather %add3A_226[%gather3A_228] in [0] : vector<16xi32>, vector<16xi32> -> vector<16xi32>
      %add3A_230 = arith.addi %add3A_226, %gather3A_229 : vector<16xi32>
      %gt3A = arith.constant 0 : i32
      %gt3A_231 = vector.broadcast %gt3A : i32 to vector<16xi32>
      %gt3A_232 = arith.cmpi sgt, %and3A_223, %gt3A_231 : vector<16xi32>
      %broadcast_in_dim3A_233 = arith.constant 1000 : i32
      %broadcast_in_dim3A_234 = vector.broadcast %broadcast_in_dim3A_233 : i32 to vector<16xi32>
      %select_n3A_235 = arith.select %gt3A_232, %and3A_218, %broadcast_in_dim3A_234 : vector<16xi1>, vector<16xi32>
      %shift_left3A = arith.constant 6 : i32
      %shift_left3A_236 = vector.broadcast %shift_left3A : i32 to vector<16xi32>
      %shift_left3A_237 = arith.shli %select_n3A_235, %shift_left3A_236 : vector<16xi32>
      %mul3A_238 = arith.constant 16 : i32
      %mul3A_239 = arith.muli %mul3A_238, %scan3A_189 : i32
      %add3A_240 = arith.constant 1600 : i32
      %add3A_241 = arith.addi %add3A_240, %mul3A_239 : i32
      %swap3A = arith.index_cast %add3A_241 : i32 to index
      %swap3A_242 = tpu.vector_load %arg10[%swap3A] {strides = array<i32>} : memref<6416xi32, #tpu.memory_space<vmem>>, vector<16xi32>,
      tpu.vector_store %arg10[%swap3A], %shift_left3A_237 {strides = array<i32>} : memref<6416xi32, #tpu.memory_space<vmem>>, vector<16xi32>,
      %convert_element_type3A = arith.sitofp %add3A_230 : vector<16xi32> to vector<16xf32>
      %div3A = arith.constant 1.000000e+00 : f32
      %div3A_243 = vector.broadcast %div3A : f32 to vector<16xf32>
      %div3A_244 = arith.divf %div3A_243, %convert_element_type3A : vector<16xf32>
      %mul3A_245 = arith.constant 16 : i32
      %mul3A_246 = arith.muli %mul3A_245, %scan3A_189 : i32
      %add3A_247 = arith.constant 1600 : i32
      %add3A_248 = arith.addi %add3A_247, %mul3A_246 : i32
      %swap3A_249 = arith.index_cast %add3A_248 : i32 to index
      %swap3A_250 = tpu.vector_load %arg11[%swap3A_249] {strides = array<i32>} : memref<6416xf32, #tpu.memory_space<vmem>>, vector<16xf32>,
      tpu.vector_store %arg11[%swap3A_249], %div3A_244 {strides = array<i32>} : memref<6416xf32, #tpu.memory_space<vmem>>, vector<16xf32>,
    }
    %scan3A_125 = arith.constant 100 : i32
    %dma_start3A_126 = arith.constant 800 : i32
    %dma_start3A_127 = tpu.memref_slice %arg8[%dma_start3A_126] : memref<1600xi32, #tpu.memory_space<vmem>> -> memref<400xi32, #tpu.memory_space<vmem>>
    %dma_start3A_128 = arith.constant 0 : i32
    %dma_start3A_129 = arith.constant 0 : i32
    %dma_start3A_130 = tpu.memref_slice %arg3[%dma_start3A_128, %dma_start3A_129] : memref<100000x16xi32, #tpu.memory_space<hbm>> -> memref<100000x16xi32, #tpu.memory_space<hbm>>
    tpu.enqueue_indirect_dma source(%dma_start3A_130 : memref<100000x16xi32, #tpu.memory_space<hbm>>) target(%arg9 : memref<400x16xi32, #tpu.memory_space<vmem>>) offsets(%dma_start3A_127 : memref<400xi32, #tpu.memory_space<vmem>>) semaphore(%arg15 : memref<!tpu.dma_semaphore, #tpu.memory_space<semaphore_mem>>)
    %dma_wait3A_131 = arith.constant 800 : i32
    %dma_wait3A_132 = tpu.memref_slice %arg8[%dma_wait3A_131] : memref<1600xi32, #tpu.memory_space<vmem>> -> memref<400xi32, #tpu.memory_space<vmem>>
    %dma_wait3A_133 = arith.constant 0 : i32
    %dma_wait3A_134 = arith.constant 0 : i32
    %dma_wait3A_135 = tpu.memref_slice %arg3[%dma_wait3A_133, %dma_wait3A_134] : memref<100000x16xi32, #tpu.memory_space<hbm>> -> memref<100000x16xi32, #tpu.memory_space<hbm>>
    tpu.wait_indirect_dma semaphore(%arg15 : memref<!tpu.dma_semaphore, #tpu.memory_space<semaphore_mem>>) src(%dma_wait3A_135 : memref<100000x16xi32, #tpu.memory_space<hbm>>) dst(%arg9 : memref<400x16xi32, #tpu.memory_space<vmem>>)
    %scan3A_136 = arith.constant 0 : i32
    %scan3A_137 = arith.constant 0 : i32
    %scan3A_138 = arith.constant 100 : i32
    %scan3A_139 = arith.addi %scan3A_137, %scan3A_138 : i32
    %scan3A_140 = arith.constant 1 : i32
    scf.for %scan3A_189 = %scan3A_137 to %scan3A_139 step %scan3A_140  : i32 {
      %mul3A_190 = arith.constant 4 : i32
      %mul3A_191 = arith.muli %mul3A_190, %scan3A_189 : i32
      %get3A = arith.index_cast %mul3A_191 : i32 to index
      %get3A_192 = arith.constant 0 : index
      %get3A_193 = tpu.vector_load %arg9[%get3A, %get3A_192] {strides = array<i32>} : memref<400x16xi32, #tpu.memory_space<vmem>>, vector<16xi32>,
      %mul3A_194 = arith.constant 4 : i32
      %mul3A_195 = arith.muli %mul3A_194, %scan3A_189 : i32
      %add3A_196 = arith.constant 1 : i32
      %add3A_197 = arith.addi %mul3A_195, %add3A_196 : i32
      %get3A_198 = arith.index_cast %add3A_197 : i32 to index
      %get3A_199 = arith.constant 0 : index
      %get3A_200 = tpu.vector_load %arg9[%get3A_198, %get3A_199] {strides = array<i32>} : memref<400x16xi32, #tpu.memory_space<vmem>>, vector<16xi32>,
      %mul3A_201 = arith.constant 4 : i32
      %mul3A_202 = arith.muli %mul3A_201, %scan3A_189 : i32
      %add3A_203 = arith.constant 2 : i32
      %add3A_204 = arith.addi %mul3A_202, %add3A_203 : i32
      %get3A_205 = arith.index_cast %add3A_204 : i32 to index
      %get3A_206 = arith.constant 0 : index
      %get3A_207 = tpu.vector_load %arg9[%get3A_205, %get3A_206] {strides = array<i32>} : memref<400x16xi32, #tpu.memory_space<vmem>>, vector<16xi32>,
      %mul3A_208 = arith.constant 4 : i32
      %mul3A_209 = arith.muli %mul3A_208, %scan3A_189 : i32
      %add3A_210 = arith.constant 3 : i32
      %add3A_211 = arith.addi %mul3A_209, %add3A_210 : i32
      %get3A_212 = arith.index_cast %add3A_211 : i32 to index
      %get3A_213 = arith.constant 0 : index
      %get3A_214 = tpu.vector_load %arg9[%get3A_212, %get3A_213] {strides = array<i32>} : memref<400x16xi32, #tpu.memory_space<vmem>>, vector<16xi32>,
      %select_n3A = arith.select %lt3A_15, %get3A_207, %get3A_214 : vector<16xi1>, vector<16xi32>
      %select_n3A_215 = arith.select %lt3A_12, %get3A_200, %select_n3A : vector<16xi1>, vector<16xi32>
      %select_n3A_216 = arith.select %lt3A_9, %get3A_193, %select_n3A_215 : vector<16xi1>, vector<16xi32>
      %and3A = arith.constant 4095 : i32
      %and3A_217 = vector.broadcast %and3A : i32 to vector<16xi32>
      %and3A_218 = arith.andi %select_n3A_216, %and3A_217 : vector<16xi32>
      %shift_right_logical3A = arith.constant 12 : i32
      %shift_right_logical3A_219 = vector.broadcast %shift_right_logical3A : i32 to vector<16xi32>
      %shift_right_logical3A_220 = arith.shrui %select_n3A_216, %shift_right_logical3A_219 : vector<16xi32>
      %and3A_221 = arith.constant 1 : i32
      %and3A_222 = vector.broadcast %and3A_221 : i32 to vector<16xi32>
      %and3A_223 = arith.andi %shift_right_logical3A_220, %and3A_222 : vector<16xi32>
      %broadcast_in_dim3A_224 = vector.shape_cast %xor3A_4 : vector<16xi32> to vector<16x1xi32>
      %gather3A = vector.shape_cast %broadcast_in_dim3A_224 : vector<16x1xi32> to vector<16xi32>
      %gather3A_225 = tpu.dynamic_gather %and3A_223[%gather3A] in [0] : vector<16xi32>, vector<16xi32> -> vector<16xi32>
      %add3A_226 = arith.addi %and3A_223, %gather3A_225 : vector<16xi32>
      %broadcast_in_dim3A_227 = vector.shape_cast %xor3A_7 : vector<16xi32> to vector<16x1xi32>
      %gather3A_228 = vector.shape_cast %broadcast_in_dim3A_227 : vector<16x1xi32> to vector<16xi32>
      %gather3A_229 = tpu.dynamic_gather %add3A_226[%gather3A_228] in [0] : vector<16xi32>, vector<16xi32> -> vector<16xi32>
      %add3A_230 = arith.addi %add3A_226, %gather3A_229 : vector<16xi32>
      %gt3A = arith.constant 0 : i32
      %gt3A_231 = vector.broadcast %gt3A : i32 to vector<16xi32>
      %gt3A_232 = arith.cmpi sgt, %and3A_223, %gt3A_231 : vector<16xi32>
      %broadcast_in_dim3A_233 = arith.constant 1000 : i32
      %broadcast_in_dim3A_234 = vector.broadcast %broadcast_in_dim3A_233 : i32 to vector<16xi32>
      %select_n3A_235 = arith.select %gt3A_232, %and3A_218, %broadcast_in_dim3A_234 : vector<16xi1>, vector<16xi32>
      %shift_left3A = arith.constant 6 : i32
      %shift_left3A_236 = vector.broadcast %shift_left3A : i32 to vector<16xi32>
      %shift_left3A_237 = arith.shli %select_n3A_235, %shift_left3A_236 : vector<16xi32>
      %mul3A_238 = arith.constant 16 : i32
      %mul3A_239 = arith.muli %mul3A_238, %scan3A_189 : i32
      %add3A_240 = arith.constant 3200 : i32
      %add3A_241 = arith.addi %add3A_240, %mul3A_239 : i32
      %swap3A = arith.index_cast %add3A_241 : i32 to index
      %swap3A_242 = tpu.vector_load %arg10[%swap3A] {strides = array<i32>} : memref<6416xi32, #tpu.memory_space<vmem>>, vector<16xi32>,
      tpu.vector_store %arg10[%swap3A], %shift_left3A_237 {strides = array<i32>} : memref<6416xi32, #tpu.memory_space<vmem>>, vector<16xi32>,
      %convert_element_type3A = arith.sitofp %add3A_230 : vector<16xi32> to vector<16xf32>
      %div3A = arith.constant 1.000000e+00 : f32
      %div3A_243 = vector.broadcast %div3A : f32 to vector<16xf32>
      %div3A_244 = arith.divf %div3A_243, %convert_element_type3A : vector<16xf32>
      %mul3A_245 = arith.constant 16 : i32
      %mul3A_246 = arith.muli %mul3A_245, %scan3A_189 : i32
      %add3A_247 = arith.constant 3200 : i32
      %add3A_248 = arith.addi %add3A_247, %mul3A_246 : i32
      %swap3A_249 = arith.index_cast %add3A_248 : i32 to index
      %swap3A_250 = tpu.vector_load %arg11[%swap3A_249] {strides = array<i32>} : memref<6416xf32, #tpu.memory_space<vmem>>, vector<16xf32>,
      tpu.vector_store %arg11[%swap3A_249], %div3A_244 {strides = array<i32>} : memref<6416xf32, #tpu.memory_space<vmem>>, vector<16xf32>,
    }
    %scan3A_141 = arith.constant 100 : i32
    %dma_start3A_142 = arith.constant 1200 : i32
    %dma_start3A_143 = tpu.memref_slice %arg8[%dma_start3A_142] : memref<1600xi32, #tpu.memory_space<vmem>> -> memref<400xi32, #tpu.memory_space<vmem>>
    %dma_start3A_144 = arith.constant 0 : i32
    %dma_start3A_145 = arith.constant 0 : i32
    %dma_start3A_146 = tpu.memref_slice %arg3[%dma_start3A_144, %dma_start3A_145] : memref<100000x16xi32, #tpu.memory_space<hbm>> -> memref<100000x16xi32, #tpu.memory_space<hbm>>
    tpu.enqueue_indirect_dma source(%dma_start3A_146 : memref<100000x16xi32, #tpu.memory_space<hbm>>) target(%arg9 : memref<400x16xi32, #tpu.memory_space<vmem>>) offsets(%dma_start3A_143 : memref<400xi32, #tpu.memory_space<vmem>>) semaphore(%arg15 : memref<!tpu.dma_semaphore, #tpu.memory_space<semaphore_mem>>)
    %dma_wait3A_147 = arith.constant 1200 : i32
    %dma_wait3A_148 = tpu.memref_slice %arg8[%dma_wait3A_147] : memref<1600xi32, #tpu.memory_space<vmem>> -> memref<400xi32, #tpu.memory_space<vmem>>
    %dma_wait3A_149 = arith.constant 0 : i32
    %dma_wait3A_150 = arith.constant 0 : i32
    %dma_wait3A_151 = tpu.memref_slice %arg3[%dma_wait3A_149, %dma_wait3A_150] : memref<100000x16xi32, #tpu.memory_space<hbm>> -> memref<100000x16xi32, #tpu.memory_space<hbm>>
    tpu.wait_indirect_dma semaphore(%arg15 : memref<!tpu.dma_semaphore, #tpu.memory_space<semaphore_mem>>) src(%dma_wait3A_151 : memref<100000x16xi32, #tpu.memory_space<hbm>>) dst(%arg9 : memref<400x16xi32, #tpu.memory_space<vmem>>)
    %scan3A_152 = arith.constant 0 : i32
    %scan3A_153 = arith.constant 0 : i32
    %scan3A_154 = arith.constant 100 : i32
    %scan3A_155 = arith.addi %scan3A_153, %scan3A_154 : i32
    %scan3A_156 = arith.constant 1 : i32
    scf.for %scan3A_189 = %scan3A_153 to %scan3A_155 step %scan3A_156  : i32 {
      %mul3A_190 = arith.constant 4 : i32
      %mul3A_191 = arith.muli %mul3A_190, %scan3A_189 : i32
      %get3A = arith.index_cast %mul3A_191 : i32 to index
      %get3A_192 = arith.constant 0 : index
      %get3A_193 = tpu.vector_load %arg9[%get3A, %get3A_192] {strides = array<i32>} : memref<400x16xi32, #tpu.memory_space<vmem>>, vector<16xi32>,
      %mul3A_194 = arith.constant 4 : i32
      %mul3A_195 = arith.muli %mul3A_194, %scan3A_189 : i32
      %add3A_196 = arith.constant 1 : i32
      %add3A_197 = arith.addi %mul3A_195, %add3A_196 : i32
      %get3A_198 = arith.index_cast %add3A_197 : i32 to index
      %get3A_199 = arith.constant 0 : index
      %get3A_200 = tpu.vector_load %arg9[%get3A_198, %get3A_199] {strides = array<i32>} : memref<400x16xi32, #tpu.memory_space<vmem>>, vector<16xi32>,
      %mul3A_201 = arith.constant 4 : i32
      %mul3A_202 = arith.muli %mul3A_201, %scan3A_189 : i32
      %add3A_203 = arith.constant 2 : i32
      %add3A_204 = arith.addi %mul3A_202, %add3A_203 : i32
      %get3A_205 = arith.index_cast %add3A_204 : i32 to index
      %get3A_206 = arith.constant 0 : index
      %get3A_207 = tpu.vector_load %arg9[%get3A_205, %get3A_206] {strides = array<i32>} : memref<400x16xi32, #tpu.memory_space<vmem>>, vector<16xi32>,
      %mul3A_208 = arith.constant 4 : i32
      %mul3A_209 = arith.muli %mul3A_208, %scan3A_189 : i32
      %add3A_210 = arith.constant 3 : i32
      %add3A_211 = arith.addi %mul3A_209, %add3A_210 : i32
      %get3A_212 = arith.index_cast %add3A_211 : i32 to index
      %get3A_213 = arith.constant 0 : index
      %get3A_214 = tpu.vector_load %arg9[%get3A_212, %get3A_213] {strides = array<i32>} : memref<400x16xi32, #tpu.memory_space<vmem>>, vector<16xi32>,
      %select_n3A = arith.select %lt3A_15, %get3A_207, %get3A_214 : vector<16xi1>, vector<16xi32>
      %select_n3A_215 = arith.select %lt3A_12, %get3A_200, %select_n3A : vector<16xi1>, vector<16xi32>
      %select_n3A_216 = arith.select %lt3A_9, %get3A_193, %select_n3A_215 : vector<16xi1>, vector<16xi32>
      %and3A = arith.constant 4095 : i32
      %and3A_217 = vector.broadcast %and3A : i32 to vector<16xi32>
      %and3A_218 = arith.andi %select_n3A_216, %and3A_217 : vector<16xi32>
      %shift_right_logical3A = arith.constant 12 : i32
      %shift_right_logical3A_219 = vector.broadcast %shift_right_logical3A : i32 to vector<16xi32>
      %shift_right_logical3A_220 = arith.shrui %select_n3A_216, %shift_right_logical3A_219 : vector<16xi32>
      %and3A_221 = arith.constant 1 : i32
      %and3A_222 = vector.broadcast %and3A_221 : i32 to vector<16xi32>
      %and3A_223 = arith.andi %shift_right_logical3A_220, %and3A_222 : vector<16xi32>
      %broadcast_in_dim3A_224 = vector.shape_cast %xor3A_4 : vector<16xi32> to vector<16x1xi32>
      %gather3A = vector.shape_cast %broadcast_in_dim3A_224 : vector<16x1xi32> to vector<16xi32>
      %gather3A_225 = tpu.dynamic_gather %and3A_223[%gather3A] in [0] : vector<16xi32>, vector<16xi32> -> vector<16xi32>
      %add3A_226 = arith.addi %and3A_223, %gather3A_225 : vector<16xi32>
      %broadcast_in_dim3A_227 = vector.shape_cast %xor3A_7 : vector<16xi32> to vector<16x1xi32>
      %gather3A_228 = vector.shape_cast %broadcast_in_dim3A_227 : vector<16x1xi32> to vector<16xi32>
      %gather3A_229 = tpu.dynamic_gather %add3A_226[%gather3A_228] in [0] : vector<16xi32>, vector<16xi32> -> vector<16xi32>
      %add3A_230 = arith.addi %add3A_226, %gather3A_229 : vector<16xi32>
      %gt3A = arith.constant 0 : i32
      %gt3A_231 = vector.broadcast %gt3A : i32 to vector<16xi32>
      %gt3A_232 = arith.cmpi sgt, %and3A_223, %gt3A_231 : vector<16xi32>
      %broadcast_in_dim3A_233 = arith.constant 1000 : i32
      %broadcast_in_dim3A_234 = vector.broadcast %broadcast_in_dim3A_233 : i32 to vector<16xi32>
      %select_n3A_235 = arith.select %gt3A_232, %and3A_218, %broadcast_in_dim3A_234 : vector<16xi1>, vector<16xi32>
      %shift_left3A = arith.constant 6 : i32
      %shift_left3A_236 = vector.broadcast %shift_left3A : i32 to vector<16xi32>
      %shift_left3A_237 = arith.shli %select_n3A_235, %shift_left3A_236 : vector<16xi32>
      %mul3A_238 = arith.constant 16 : i32
      %mul3A_239 = arith.muli %mul3A_238, %scan3A_189 : i32
      %add3A_240 = arith.constant 4800 : i32
      %add3A_241 = arith.addi %add3A_240, %mul3A_239 : i32
      %swap3A = arith.index_cast %add3A_241 : i32 to index
      %swap3A_242 = tpu.vector_load %arg10[%swap3A] {strides = array<i32>} : memref<6416xi32, #tpu.memory_space<vmem>>, vector<16xi32>,
      tpu.vector_store %arg10[%swap3A], %shift_left3A_237 {strides = array<i32>} : memref<6416xi32, #tpu.memory_space<vmem>>, vector<16xi32>,
      %convert_element_type3A = arith.sitofp %add3A_230 : vector<16xi32> to vector<16xf32>
      %div3A = arith.constant 1.000000e+00 : f32
      %div3A_243 = vector.broadcast %div3A : f32 to vector<16xf32>
      %div3A_244 = arith.divf %div3A_243, %convert_element_type3A : vector<16xf32>
      %mul3A_245 = arith.constant 16 : i32
      %mul3A_246 = arith.muli %mul3A_245, %scan3A_189 : i32
      %add3A_247 = arith.constant 4800 : i32
      %add3A_248 = arith.addi %add3A_247, %mul3A_246 : i32
      %swap3A_249 = arith.index_cast %add3A_248 : i32 to index
      %swap3A_250 = tpu.vector_load %arg11[%swap3A_249] {strides = array<i32>} : memref<6416xf32, #tpu.memory_space<vmem>>, vector<16xf32>,
      tpu.vector_store %arg11[%swap3A_249], %div3A_244 {strides = array<i32>} : memref<6416xf32, #tpu.memory_space<vmem>>, vector<16xf32>,
    }
    %scan3A_157 = arith.constant 100 : i32
    tpu.wait_dma2 semaphore(%arg14 : memref<!tpu.dma_semaphore, #tpu.memory_space<semaphore_mem>>) src(%arg4 : memref<64512xi32, #tpu.memory_space<hbm>>) dst(%arg7 : memref<64512xi32, #tpu.memory_space<vmem>>)
    %dma_start3A_158 = arith.constant 0 : i32
    %dma_start3A_159 = arith.constant 0 : i32
    %dma_start3A_160 = arith.constant 0 : i32
    %dma_start3A_161 = tpu.memref_slice %arg12[%dma_start3A_158, %dma_start3A_159, %dma_start3A_160] : memref<2x32x128xf32, #tpu.memory_space<vmem>> -> memref<1x32x128xf32, #tpu.memory_space<vmem>>
    %dma_start3A_162 = tpu.memref_squeeze %dma_start3A_161 : memref<1x32x128xf32, #tpu.memory_space<vmem>> -> memref<32x128xf32, #tpu.memory_space<vmem>>
    %dma_start3A_163 = arith.constant 0 : i32
    %dma_start3A_164 = tpu.memref_slice %arg8[%dma_start3A_163] : memref<1600xi32, #tpu.memory_space<vmem>> -> memref<32xi32, #tpu.memory_space<vmem>>
    %dma_start3A_165 = arith.constant 0 : i32
    %dma_start3A_166 = arith.constant 0 : i32
    %dma_start3A_167 = tpu.memref_slice %arg5[%dma_start3A_165, %dma_start3A_166] : memref<100000x128xf32, #tpu.memory_space<hbm>> -> memref<100000x128xf32, #tpu.memory_space<hbm>>
    tpu.enqueue_indirect_dma source(%dma_start3A_167 : memref<100000x128xf32, #tpu.memory_space<hbm>>) target(%dma_start3A_162 : memref<32x128xf32, #tpu.memory_space<vmem>>) offsets(%dma_start3A_164 : memref<32xi32, #tpu.memory_space<vmem>>) semaphore(%arg16 : memref<!tpu.dma_semaphore, #tpu.memory_space<semaphore_mem>>)
    %scan3A_168 = arith.constant 0 : i32
    %scan3A_169 = arith.constant 0 : i32
    %scan3A_170 = arith.constant 25 : i32
    %scan3A_171 = arith.addi %scan3A_169, %scan3A_170 : i32
    %scan3A_172 = arith.constant 1 : i32
    scf.for %scan3A_189 = %scan3A_169 to %scan3A_171 step %scan3A_172  : i32 {
      %mul3A_190 = arith.constant 2 : i32
      %mul3A_191 = arith.muli %mul3A_190, %scan3A_189 : i32
      %add3A_192 = arith.constant 0 : i32
      %add3A_193 = arith.addi %mul3A_191, %add3A_192 : i32
      %ge3A = arith.constant 1 : i32
      %ge3A_194 = arith.cmpi sge, %scan3A_189, %ge3A : i32
      %convert_element_type3A = arith.extui %ge3A_194 : i1 to i32
      %cond3A = arith.constant 0 : i32
      %cond3A_195 = arith.cmpi ne, %convert_element_type3A, %cond3A : i32
      scf.if %cond3A_195 {
        %dma_wait3A_309 = arith.constant 1 : i32
        %dma_wait3A_310 = arith.constant 0 : i32
        %dma_wait3A_311 = arith.constant 0 : i32
        %dma_wait3A_312 = tpu.memref_slice %arg13[%dma_wait3A_309, %dma_wait3A_310, %dma_wait3A_311] : memref<2x32x256xf32, #tpu.memory_space<vmem>> -> memref<1x32x256xf32, #tpu.memory_space<vmem>>
        %dma_wait3A_313 = tpu.memref_squeeze %dma_wait3A_312 : memref<1x32x256xf32, #tpu.memory_space<vmem>> -> memref<32x256xf32, #tpu.memory_space<vmem>>
        %dma_wait3A_314 = arith.constant 0 : i32
        %dma_wait3A_315 = arith.constant 0 : i32
        %dma_wait3A_316 = tpu.memref_slice %arg6[%dma_wait3A_314, %dma_wait3A_315] : memref<51200x256xf32, #tpu.memory_space<hbm>> -> memref<32x256xf32, #tpu.memory_space<hbm>>
        %dma_wait3A_317 = arith.constant 0 : i32
        %dma_wait3A_318 = arith.constant 0 : i32
        %dma_wait3A_319 = tpu.memref_slice %arg6[%dma_wait3A_317, %dma_wait3A_318] : memref<51200x256xf32, #tpu.memory_space<hbm>> -> memref<32x256xf32, #tpu.memory_space<hbm>>
        %dma_wait3A_320 = arith.constant 0 : i32
        %dma_wait3A_321 = arith.constant 0 : i32
        %dma_wait3A_322 = tpu.memref_slice %arg13[%dma_wait3A_309, %dma_wait3A_320, %dma_wait3A_321] : memref<2x32x256xf32, #tpu.memory_space<vmem>> -> memref<1x32x256xf32, #tpu.memory_space<vmem>>
        %dma_wait3A_323 = tpu.memref_squeeze %dma_wait3A_322 : memref<1x32x256xf32, #tpu.memory_space<vmem>> -> memref<32x256xf32, #tpu.memory_space<vmem>>
        tpu.wait_dma2 semaphore(%arg19 : memref<!tpu.dma_semaphore, #tpu.memory_space<semaphore_mem>>) src(%dma_wait3A_323 : memref<32x256xf32, #tpu.memory_space<vmem>>) dst(%dma_wait3A_319 : memref<32x256xf32, #tpu.memory_space<hbm>>)
      } else {
      }
      %add3A_196 = arith.constant 1 : i32
      %add3A_197 = arith.addi %add3A_193, %add3A_196 : i32
      %mul3A_198 = arith.constant 32 : i32
      %mul3A_199 = arith.muli %add3A_197, %mul3A_198 : i32
      %dma_start3A_200 = arith.constant 1 : i32
      %dma_start3A_201 = arith.constant 0 : i32
      %dma_start3A_202 = arith.constant 0 : i32
      %dma_start3A_203 = tpu.memref_slice %arg12[%dma_start3A_200, %dma_start3A_201, %dma_start3A_202] : memref<2x32x128xf32, #tpu.memory_space<vmem>> -> memref<1x32x128xf32, #tpu.memory_space<vmem>>
      %dma_start3A_204 = tpu.memref_squeeze %dma_start3A_203 : memref<1x32x128xf32, #tpu.memory_space<vmem>> -> memref<32x128xf32, #tpu.memory_space<vmem>>
      %dma_start3A_205 = tpu.memref_slice %arg8[%mul3A_199] : memref<1600xi32, #tpu.memory_space<vmem>> -> memref<32xi32, #tpu.memory_space<vmem>>
      %dma_start3A_206 = arith.constant 0 : i32
      %dma_start3A_207 = arith.constant 0 : i32
      %dma_start3A_208 = tpu.memref_slice %arg5[%dma_start3A_206, %dma_start3A_207] : memref<100000x128xf32, #tpu.memory_space<hbm>> -> memref<100000x128xf32, #tpu.memory_space<hbm>>
      tpu.enqueue_indirect_dma source(%dma_start3A_208 : memref<100000x128xf32, #tpu.memory_space<hbm>>) target(%dma_start3A_204 : memref<32x128xf32, #tpu.memory_space<vmem>>) offsets(%dma_start3A_205 : memref<32xi32, #tpu.memory_space<vmem>>) semaphore(%arg17 : memref<!tpu.dma_semaphore, #tpu.memory_space<semaphore_mem>>)
      %dma_wait3A_209 = arith.constant 0 : i32
      %dma_wait3A_210 = arith.constant 0 : i32
      %dma_wait3A_211 = arith.constant 0 : i32
      %dma_wait3A_212 = tpu.memref_slice %arg12[%dma_wait3A_209, %dma_wait3A_210, %dma_wait3A_211] : memref<2x32x128xf32, #tpu.memory_space<vmem>> -> memref<1x32x128xf32, #tpu.memory_space<vmem>>
      %dma_wait3A_213 = tpu.memref_squeeze %dma_wait3A_212 : memref<1x32x128xf32, #tpu.memory_space<vmem>> -> memref<32x128xf32, #tpu.memory_space<vmem>>
      %dma_wait3A_214 = arith.constant 0 : i32
      %dma_wait3A_215 = tpu.memref_slice %arg8[%dma_wait3A_214] : memref<1600xi32, #tpu.memory_space<vmem>> -> memref<32xi32, #tpu.memory_space<vmem>>
      %dma_wait3A_216 = arith.constant 0 : i32
      %dma_wait3A_217 = arith.constant 0 : i32
      %dma_wait3A_218 = tpu.memref_slice %arg5[%dma_wait3A_216, %dma_wait3A_217] : memref<100000x128xf32, #tpu.memory_space<hbm>> -> memref<100000x128xf32, #tpu.memory_space<hbm>>
      tpu.wait_indirect_dma semaphore(%arg16 : memref<!tpu.dma_semaphore, #tpu.memory_space<semaphore_mem>>) src(%dma_wait3A_218 : memref<100000x128xf32, #tpu.memory_space<hbm>>) dst(%dma_wait3A_213 : memref<32x128xf32, #tpu.memory_space<vmem>>)
      %scan3A_219 = arith.constant 0 : i32
      %scan3A_220 = arith.constant 0 : i32
      %scan3A_221 = arith.constant 32 : i32
      %scan3A_222 = arith.addi %scan3A_220, %scan3A_221 : i32
      %scan3A_223 = arith.constant 1 : i32
      scf.for %scan3A_309 = %scan3A_220 to %scan3A_222 step %scan3A_223  : i32 {
        %get3A = arith.constant 0 : i32
        %get3A_310 = arith.index_cast %get3A : i32 to index
        %get3A_311 = arith.index_cast %scan3A_309 : i32 to index
        %get3A_312 = arith.constant 0 : index
        %get3A_313 = tpu.vector_load %arg12[%get3A_310, %get3A_311, %get3A_312] {strides = array<i32>} : memref<2x32x128xf32, #tpu.memory_space<vmem>>, vector<16xf32>,
        %swap3A = arith.constant 0 : i32
        %swap3A_314 = arith.index_cast %swap3A : i32 to index
        %swap3A_315 = arith.index_cast %scan3A_309 : i32 to index
        %swap3A_316 = arith.constant 128 : index
        %swap3A_317 = tpu.vector_load %arg13[%swap3A_314, %swap3A_315, %swap3A_316] {strides = array<i32>} : memref<2x32x256xf32, #tpu.memory_space<vmem>>, vector<16xf32>,
        tpu.vector_store %arg13[%swap3A_314, %swap3A_315, %swap3A_316], %get3A_313 {strides = array<i32>} : memref<2x32x256xf32, #tpu.memory_space<vmem>>, vector<16xf32>,
        %get3A_318 = arith.constant 0 : i32
        %get3A_319 = arith.index_cast %get3A_318 : i32 to index
        %get3A_320 = arith.index_cast %scan3A_309 : i32 to index
        %get3A_321 = arith.constant 16 : index
        %get3A_322 = tpu.vector_load %arg12[%get3A_319, %get3A_320, %get3A_321] {strides = array<i32>} : memref<2x32x128xf32, #tpu.memory_space<vmem>>, vector<16xf32>,
        %swap3A_323 = arith.constant 0 : i32
        %swap3A_324 = arith.index_cast %swap3A_323 : i32 to index
        %swap3A_325 = arith.index_cast %scan3A_309 : i32 to index
        %swap3A_326 = arith.constant 144 : index
        %swap3A_327 = tpu.vector_load %arg13[%swap3A_324, %swap3A_325, %swap3A_326] {strides = array<i32>} : memref<2x32x256xf32, #tpu.memory_space<vmem>>, vector<16xf32>,
        tpu.vector_store %arg13[%swap3A_324, %swap3A_325, %swap3A_326], %get3A_322 {strides = array<i32>} : memref<2x32x256xf32, #tpu.memory_space<vmem>>, vector<16xf32>,
        %get3A_328 = arith.constant 0 : i32
        %get3A_329 = arith.index_cast %get3A_328 : i32 to index
        %get3A_330 = arith.index_cast %scan3A_309 : i32 to index
        %get3A_331 = arith.constant 32 : index
        %get3A_332 = tpu.vector_load %arg12[%get3A_329, %get3A_330, %get3A_331] {strides = array<i32>} : memref<2x32x128xf32, #tpu.memory_space<vmem>>, vector<16xf32>,
        %swap3A_333 = arith.constant 0 : i32
        %swap3A_334 = arith.index_cast %swap3A_333 : i32 to index
        %swap3A_335 = arith.index_cast %scan3A_309 : i32 to index
        %swap3A_336 = arith.constant 160 : index
        %swap3A_337 = tpu.vector_load %arg13[%swap3A_334, %swap3A_335, %swap3A_336] {strides = array<i32>} : memref<2x32x256xf32, #tpu.memory_space<vmem>>, vector<16xf32>,
        tpu.vector_store %arg13[%swap3A_334, %swap3A_335, %swap3A_336], %get3A_332 {strides = array<i32>} : memref<2x32x256xf32, #tpu.memory_space<vmem>>, vector<16xf32>,
        %get3A_338 = arith.constant 0 : i32
        %get3A_339 = arith.index_cast %get3A_338 : i32 to index
        %get3A_340 = arith.index_cast %scan3A_309 : i32 to index
        %get3A_341 = arith.constant 48 : index
        %get3A_342 = tpu.vector_load %arg12[%get3A_339, %get3A_340, %get3A_341] {strides = array<i32>} : memref<2x32x128xf32, #tpu.memory_space<vmem>>, vector<16xf32>,
        %swap3A_343 = arith.constant 0 : i32
        %swap3A_344 = arith.index_cast %swap3A_343 : i32 to index
        %swap3A_345 = arith.index_cast %scan3A_309 : i32 to index
        %swap3A_346 = arith.constant 176 : index
        %swap3A_347 = tpu.vector_load %arg13[%swap3A_344, %swap3A_345, %swap3A_346] {strides = array<i32>} : memref<2x32x256xf32, #tpu.memory_space<vmem>>, vector<16xf32>,
        tpu.vector_store %arg13[%swap3A_344, %swap3A_345, %swap3A_346], %get3A_342 {strides = array<i32>} : memref<2x32x256xf32, #tpu.memory_space<vmem>>, vector<16xf32>,
        %get3A_348 = arith.constant 0 : i32
        %get3A_349 = arith.index_cast %get3A_348 : i32 to index
        %get3A_350 = arith.index_cast %scan3A_309 : i32 to index
        %get3A_351 = arith.constant 64 : index
        %get3A_352 = tpu.vector_load %arg12[%get3A_349, %get3A_350, %get3A_351] {strides = array<i32>} : memref<2x32x128xf32, #tpu.memory_space<vmem>>, vector<16xf32>,
        %swap3A_353 = arith.constant 0 : i32
        %swap3A_354 = arith.index_cast %swap3A_353 : i32 to index
        %swap3A_355 = arith.index_cast %scan3A_309 : i32 to index
        %swap3A_356 = arith.constant 192 : index
        %swap3A_357 = tpu.vector_load %arg13[%swap3A_354, %swap3A_355, %swap3A_356] {strides = array<i32>} : memref<2x32x256xf32, #tpu.memory_space<vmem>>, vector<16xf32>,
        tpu.vector_store %arg13[%swap3A_354, %swap3A_355, %swap3A_356], %get3A_352 {strides = array<i32>} : memref<2x32x256xf32, #tpu.memory_space<vmem>>, vector<16xf32>,
        %get3A_358 = arith.constant 0 : i32
        %get3A_359 = arith.index_cast %get3A_358 : i32 to index
        %get3A_360 = arith.index_cast %scan3A_309 : i32 to index
        %get3A_361 = arith.constant 80 : index
        %get3A_362 = tpu.vector_load %arg12[%get3A_359, %get3A_360, %get3A_361] {strides = array<i32>} : memref<2x32x128xf32, #tpu.memory_space<vmem>>, vector<16xf32>,
        %swap3A_363 = arith.constant 0 : i32
        %swap3A_364 = arith.index_cast %swap3A_363 : i32 to index
        %swap3A_365 = arith.index_cast %scan3A_309 : i32 to index
        %swap3A_366 = arith.constant 208 : index
        %swap3A_367 = tpu.vector_load %arg13[%swap3A_364, %swap3A_365, %swap3A_366] {strides = array<i32>} : memref<2x32x256xf32, #tpu.memory_space<vmem>>, vector<16xf32>,
        tpu.vector_store %arg13[%swap3A_364, %swap3A_365, %swap3A_366], %get3A_362 {strides = array<i32>} : memref<2x32x256xf32, #tpu.memory_space<vmem>>, vector<16xf32>,
        %get3A_368 = arith.constant 0 : i32
        %get3A_369 = arith.index_cast %get3A_368 : i32 to index
        %get3A_370 = arith.index_cast %scan3A_309 : i32 to index
        %get3A_371 = arith.constant 96 : index
        %get3A_372 = tpu.vector_load %arg12[%get3A_369, %get3A_370, %get3A_371] {strides = array<i32>} : memref<2x32x128xf32, #tpu.memory_space<vmem>>, vector<16xf32>,
        %swap3A_373 = arith.constant 0 : i32
        %swap3A_374 = arith.index_cast %swap3A_373 : i32 to index
        %swap3A_375 = arith.index_cast %scan3A_309 : i32 to index
        %swap3A_376 = arith.constant 224 : index
        %swap3A_377 = tpu.vector_load %arg13[%swap3A_374, %swap3A_375, %swap3A_376] {strides = array<i32>} : memref<2x32x256xf32, #tpu.memory_space<vmem>>, vector<16xf32>,
        tpu.vector_store %arg13[%swap3A_374, %swap3A_375, %swap3A_376], %get3A_372 {strides = array<i32>} : memref<2x32x256xf32, #tpu.memory_space<vmem>>, vector<16xf32>,
        %get3A_378 = arith.constant 0 : i32
        %get3A_379 = arith.index_cast %get3A_378 : i32 to index
        %get3A_380 = arith.index_cast %scan3A_309 : i32 to index
        %get3A_381 = arith.constant 112 : index
        %get3A_382 = tpu.vector_load %arg12[%get3A_379, %get3A_380, %get3A_381] {strides = array<i32>} : memref<2x32x128xf32, #tpu.memory_space<vmem>>, vector<16xf32>,
        %swap3A_383 = arith.constant 0 : i32
        %swap3A_384 = arith.index_cast %swap3A_383 : i32 to index
        %swap3A_385 = arith.index_cast %scan3A_309 : i32 to index
        %swap3A_386 = arith.constant 240 : index
        %swap3A_387 = tpu.vector_load %arg13[%swap3A_384, %swap3A_385, %swap3A_386] {strides = array<i32>} : memref<2x32x256xf32, #tpu.memory_space<vmem>>, vector<16xf32>,
        tpu.vector_store %arg13[%swap3A_384, %swap3A_385, %swap3A_386], %get3A_382 {strides = array<i32>} : memref<2x32x256xf32, #tpu.memory_space<vmem>>, vector<16xf32>,
      }
      %scan3A_224 = arith.constant 32 : i32
      %scan3A_225 = arith.constant 0 : i32
      %scan3A_226 = arith.constant 0 : i32
      %scan3A_227 = arith.constant 32 : i32
      %scan3A_228 = arith.addi %scan3A_226, %scan3A_227 : i32
      %scan3A_229 = arith.constant 1 : i32
      scf.for %scan3A_309 = %scan3A_226 to %scan3A_228 step %scan3A_229  : i32 {
        %mul3A_310 = arith.constant 32 : i32
        %mul3A_311 = arith.muli %add3A_193, %mul3A_310 : i32
        %add3A_312 = arith.addi %mul3A_311, %scan3A_309 : i32
        %mul3A_313 = arith.constant 4 : i32
        %mul3A_314 = arith.muli %mul3A_313, %add3A_312 : i32
        %get3A = arith.index_cast %mul3A_314 : i32 to index
        %get3A_315 = tpu.vector_load %arg10[%get3A] {strides = array<i32>} : memref<6416xi32, #tpu.memory_space<vmem>>, vector<16xi32>,
        %get3A_316 = arith.index_cast %mul3A_314 : i32 to index
        %get3A_317 = tpu.vector_load %arg11[%get3A_316] {strides = array<i32>} : memref<6416xf32, #tpu.memory_space<vmem>>, vector<16xf32>,
        %broadcast_in_dim3A_318 = vector.shape_cast %broadcast_in_dim3A_96 : vector<16xi32> to vector<16x1xi32>
        %gather3A = vector.shape_cast %broadcast_in_dim3A_318 : vector<16x1xi32> to vector<16xi32>
        %gather3A_319 = tpu.dynamic_gather %get3A_317[%gather3A] in [0] : vector<16xf32>, vector<16xi32> -> vector<16xf32>
        %pack3A = tpu.pack_subelements %gather3A_319, %gather3A_319 {pack_format = #tpu.pack_format<interleaved>, positions = array<i32: 0, 1>} : vector<16xf32>, vector<16xf32> -> vector<32xbf16>
        %broadcast_in_dim3A_320 = vector.broadcast %scan3A_309 : i32 to vector<16xi32>
        %broadcast_in_dim3A_321 = vector.shape_cast %broadcast_in_dim3A_88 : vector<16xi32> to vector<16x1xi32>
        %gather3A_322 = vector.shape_cast %broadcast_in_dim3A_321 : vector<16x1xi32> to vector<16xi32>
        %gather3A_323 = tpu.dynamic_gather %get3A_315[%gather3A_322] in [0] : vector<16xi32>, vector<16xi32> -> vector<16xi32>
        %broadcast_in_dim3A_324 = vector.shape_cast %broadcast_in_dim3A_90 : vector<16xi32> to vector<16x1xi32>
        %gather3A_325 = vector.shape_cast %broadcast_in_dim3A_324 : vector<16x1xi32> to vector<16xi32>
        %gather3A_326 = tpu.dynamic_gather %get3A_315[%gather3A_325] in [0] : vector<16xi32>, vector<16xi32> -> vector<16xi32>
        %broadcast_in_dim3A_327 = vector.shape_cast %broadcast_in_dim3A_92 : vector<16xi32> to vector<16x1xi32>
        %gather3A_328 = vector.shape_cast %broadcast_in_dim3A_327 : vector<16x1xi32> to vector<16xi32>
        %gather3A_329 = tpu.dynamic_gather %get3A_315[%gather3A_328] in [0] : vector<16xi32>, vector<16xi32> -> vector<16xi32>
        %broadcast_in_dim3A_330 = vector.shape_cast %broadcast_in_dim3A_94 : vector<16xi32> to vector<16x1xi32>
        %gather3A_331 = vector.shape_cast %broadcast_in_dim3A_330 : vector<16x1xi32> to vector<16xi32>
        %gather3A_332 = tpu.dynamic_gather %get3A_315[%gather3A_331] in [0] : vector<16xi32>, vector<16xi32> -> vector<16xi32>
        %add3A_333 = arith.addi %gather3A_323, %add3A_18 : vector<16xi32>
        %gather3A_334 = tpu.vector_load_idx %arg7[%add3A_333] : memref<64512xi32, #tpu.memory_space<vmem>>[vector<16xi32>], vector<16xi32>,
        %bitcast3A = vector.bitcast %gather3A_334 : vector<16xi32> to vector<32xbf16>
        %add3A_335 = arith.addi %gather3A_326, %add3A_18 : vector<16xi32>
        %gather3A_336 = tpu.vector_load_idx %arg7[%add3A_335] : memref<64512xi32, #tpu.memory_space<vmem>>[vector<16xi32>], vector<16xi32>,
        %bitcast3A_337 = vector.bitcast %gather3A_336 : vector<16xi32> to vector<32xbf16>
        %add3A_338 = arith.addf %bitcast3A, %bitcast3A_337 : vector<32xbf16>
        %add3A_339 = arith.addi %gather3A_329, %add3A_18 : vector<16xi32>
        %gather3A_340 = tpu.vector_load_idx %arg7[%add3A_339] : memref<64512xi32, #tpu.memory_space<vmem>>[vector<16xi32>], vector<16xi32>,
        %bitcast3A_341 = vector.bitcast %gather3A_340 : vector<16xi32> to vector<32xbf16>
        %add3A_342 = arith.addf %add3A_338, %bitcast3A_341 : vector<32xbf16>
        %add3A_343 = arith.addi %gather3A_332, %add3A_18 : vector<16xi32>
        %gather3A_344 = tpu.vector_load_idx %arg7[%add3A_343] : memref<64512xi32, #tpu.memory_space<vmem>>[vector<16xi32>], vector<16xi32>,
        %bitcast3A_345 = vector.bitcast %gather3A_344 : vector<16xi32> to vector<32xbf16>
        %add3A_346 = arith.addf %add3A_342, %bitcast3A_345 : vector<32xbf16>
        %mul3A_347 = arith.mulf %add3A_346, %pack3A : vector<32xbf16>
        %unpack3A = tpu.unpack_subelements %mul3A_347, 0 {pack_format = #tpu.pack_format<interleaved>} : vector<32xbf16> -> vector<16xf32>
        %unpack3A_348 = tpu.unpack_subelements %mul3A_347, 1 {pack_format = #tpu.pack_format<interleaved>} : vector<32xbf16> -> vector<16xf32>
        %scatter3A = arith.constant 0 : i32
        %scatter3A_349 = arith.constant 0 : i32
        %scatter3A_350 = arith.constant 0 : i32
        %scatter3A_351 = tpu.memref_slice %arg13[%scatter3A, %scatter3A_349, %scatter3A_350] : memref<2x32x256xf32, #tpu.memory_space<vmem>> -> memref<1x32x256xf32, #tpu.memory_space<vmem>>
        %scatter3A_352 = tpu.memref_squeeze %scatter3A_351 : memref<1x32x256xf32, #tpu.memory_space<vmem>> -> memref<32x256xf32, #tpu.memory_space<vmem>>
        tpu.vector_store_idx %scatter3A_352[%broadcast_in_dim3A_320, %add3A_33], %unpack3A : memref<32x256xf32, #tpu.memory_space<vmem>>[vector<16xi32>, vector<16xi32>], vector<16xf32>,
        %scatter3A_353 = arith.constant 0 : i32
        %scatter3A_354 = arith.constant 0 : i32
        %scatter3A_355 = arith.constant 0 : i32
        %scatter3A_356 = tpu.memref_slice %arg13[%scatter3A_353, %scatter3A_354, %scatter3A_355] : memref<2x32x256xf32, #tpu.memory_space<vmem>> -> memref<1x32x256xf32, #tpu.memory_space<vmem>>
        %scatter3A_357 = tpu.memref_squeeze %scatter3A_356 : memref<1x32x256xf32, #tpu.memory_space<vmem>> -> memref<32x256xf32, #tpu.memory_space<vmem>>
        tpu.vector_store_idx %scatter3A_357[%broadcast_in_dim3A_320, %add3A_60], %unpack3A_348 : memref<32x256xf32, #tpu.memory_space<vmem>>[vector<16xi32>, vector<16xi32>], vector<16xf32>,
        %add3A_358 = arith.addi %gather3A_323, %add3A_21 : vector<16xi32>
        %gather3A_359 = tpu.vector_load_idx %arg7[%add3A_358] : memref<64512xi32, #tpu.memory_space<vmem>>[vector<16xi32>], vector<16xi32>,
        %bitcast3A_360 = vector.bitcast %gather3A_359 : vector<16xi32> to vector<32xbf16>
        %add3A_361 = arith.addi %gather3A_326, %add3A_21 : vector<16xi32>
        %gather3A_362 = tpu.vector_load_idx %arg7[%add3A_361] : memref<64512xi32, #tpu.memory_space<vmem>>[vector<16xi32>], vector<16xi32>,
        %bitcast3A_363 = vector.bitcast %gather3A_362 : vector<16xi32> to vector<32xbf16>
        %add3A_364 = arith.addf %bitcast3A_360, %bitcast3A_363 : vector<32xbf16>
        %add3A_365 = arith.addi %gather3A_329, %add3A_21 : vector<16xi32>
        %gather3A_366 = tpu.vector_load_idx %arg7[%add3A_365] : memref<64512xi32, #tpu.memory_space<vmem>>[vector<16xi32>], vector<16xi32>,
        %bitcast3A_367 = vector.bitcast %gather3A_366 : vector<16xi32> to vector<32xbf16>
        %add3A_368 = arith.addf %add3A_364, %bitcast3A_367 : vector<32xbf16>
        %add3A_369 = arith.addi %gather3A_332, %add3A_21 : vector<16xi32>
        %gather3A_370 = tpu.vector_load_idx %arg7[%add3A_369] : memref<64512xi32, #tpu.memory_space<vmem>>[vector<16xi32>], vector<16xi32>,
        %bitcast3A_371 = vector.bitcast %gather3A_370 : vector<16xi32> to vector<32xbf16>
        %add3A_372 = arith.addf %add3A_368, %bitcast3A_371 : vector<32xbf16>
        %mul3A_373 = arith.mulf %add3A_372, %pack3A : vector<32xbf16>
        %unpack3A_374 = tpu.unpack_subelements %mul3A_373, 0 {pack_format = #tpu.pack_format<interleaved>} : vector<32xbf16> -> vector<16xf32>
        %unpack3A_375 = tpu.unpack_subelements %mul3A_373, 1 {pack_format = #tpu.pack_format<interleaved>} : vector<32xbf16> -> vector<16xf32>
        %scatter3A_376 = arith.constant 0 : i32
        %scatter3A_377 = arith.constant 0 : i32
        %scatter3A_378 = arith.constant 0 : i32
        %scatter3A_379 = tpu.memref_slice %arg13[%scatter3A_376, %scatter3A_377, %scatter3A_378] : memref<2x32x256xf32, #tpu.memory_space<vmem>> -> memref<1x32x256xf32, #tpu.memory_space<vmem>>
        %scatter3A_380 = tpu.memref_squeeze %scatter3A_379 : memref<1x32x256xf32, #tpu.memory_space<vmem>> -> memref<32x256xf32, #tpu.memory_space<vmem>>
        tpu.vector_store_idx %scatter3A_380[%broadcast_in_dim3A_320, %add3A_39], %unpack3A_374 : memref<32x256xf32, #tpu.memory_space<vmem>>[vector<16xi32>, vector<16xi32>], vector<16xf32>,
        %scatter3A_381 = arith.constant 0 : i32
        %scatter3A_382 = arith.constant 0 : i32
        %scatter3A_383 = arith.constant 0 : i32
        %scatter3A_384 = tpu.memref_slice %arg13[%scatter3A_381, %scatter3A_382, %scatter3A_383] : memref<2x32x256xf32, #tpu.memory_space<vmem>> -> memref<1x32x256xf32, #tpu.memory_space<vmem>>
        %scatter3A_385 = tpu.memref_squeeze %scatter3A_384 : memref<1x32x256xf32, #tpu.memory_space<vmem>> -> memref<32x256xf32, #tpu.memory_space<vmem>>
        tpu.vector_store_idx %scatter3A_385[%broadcast_in_dim3A_320, %add3A_69], %unpack3A_375 : memref<32x256xf32, #tpu.memory_space<vmem>>[vector<16xi32>, vector<16xi32>], vector<16xf32>,
        %add3A_386 = arith.addi %gather3A_323, %add3A_24 : vector<16xi32>
        %gather3A_387 = tpu.vector_load_idx %arg7[%add3A_386] : memref<64512xi32, #tpu.memory_space<vmem>>[vector<16xi32>], vector<16xi32>,
        %bitcast3A_388 = vector.bitcast %gather3A_387 : vector<16xi32> to vector<32xbf16>
        %add3A_389 = arith.addi %gather3A_326, %add3A_24 : vector<16xi32>
        %gather3A_390 = tpu.vector_load_idx %arg7[%add3A_389] : memref<64512xi32, #tpu.memory_space<vmem>>[vector<16xi32>], vector<16xi32>,
        %bitcast3A_391 = vector.bitcast %gather3A_390 : vector<16xi32> to vector<32xbf16>
        %add3A_392 = arith.addf %bitcast3A_388, %bitcast3A_391 : vector<32xbf16>
        %add3A_393 = arith.addi %gather3A_329, %add3A_24 : vector<16xi32>
        %gather3A_394 = tpu.vector_load_idx %arg7[%add3A_393] : memref<64512xi32, #tpu.memory_space<vmem>>[vector<16xi32>], vector<16xi32>,
        %bitcast3A_395 = vector.bitcast %gather3A_394 : vector<16xi32> to vector<32xbf16>
        %add3A_396 = arith.addf %add3A_392, %bitcast3A_395 : vector<32xbf16>
        %add3A_397 = arith.addi %gather3A_332, %add3A_24 : vector<16xi32>
        %gather3A_398 = tpu.vector_load_idx %arg7[%add3A_397] : memref<64512xi32, #tpu.memory_space<vmem>>[vector<16xi32>], vector<16xi32>,
        %bitcast3A_399 = vector.bitcast %gather3A_398 : vector<16xi32> to vector<32xbf16>
        %add3A_400 = arith.addf %add3A_396, %bitcast3A_399 : vector<32xbf16>
        %mul3A_401 = arith.mulf %add3A_400, %pack3A : vector<32xbf16>
        %unpack3A_402 = tpu.unpack_subelements %mul3A_401, 0 {pack_format = #tpu.pack_format<interleaved>} : vector<32xbf16> -> vector<16xf32>
        %unpack3A_403 = tpu.unpack_subelements %mul3A_401, 1 {pack_format = #tpu.pack_format<interleaved>} : vector<32xbf16> -> vector<16xf32>
        %scatter3A_404 = arith.constant 0 : i32
        %scatter3A_405 = arith.constant 0 : i32
        %scatter3A_406 = arith.constant 0 : i32
        %scatter3A_407 = tpu.memref_slice %arg13[%scatter3A_404, %scatter3A_405, %scatter3A_406] : memref<2x32x256xf32, #tpu.memory_space<vmem>> -> memref<1x32x256xf32, #tpu.memory_space<vmem>>
        %scatter3A_408 = tpu.memref_squeeze %scatter3A_407 : memref<1x32x256xf32, #tpu.memory_space<vmem>> -> memref<32x256xf32, #tpu.memory_space<vmem>>
        tpu.vector_store_idx %scatter3A_408[%broadcast_in_dim3A_320, %add3A_45], %unpack3A_402 : memref<32x256xf32, #tpu.memory_space<vmem>>[vector<16xi32>, vector<16xi32>], vector<16xf32>,
        %scatter3A_409 = arith.constant 0 : i32
        %scatter3A_410 = arith.constant 0 : i32
        %scatter3A_411 = arith.constant 0 : i32
        %scatter3A_412 = tpu.memref_slice %arg13[%scatter3A_409, %scatter3A_410, %scatter3A_411] : memref<2x32x256xf32, #tpu.memory_space<vmem>> -> memref<1x32x256xf32, #tpu.memory_space<vmem>>
        %scatter3A_413 = tpu.memref_squeeze %scatter3A_412 : memref<1x32x256xf32, #tpu.memory_space<vmem>> -> memref<32x256xf32, #tpu.memory_space<vmem>>
        tpu.vector_store_idx %scatter3A_413[%broadcast_in_dim3A_320, %add3A_78], %unpack3A_403 : memref<32x256xf32, #tpu.memory_space<vmem>>[vector<16xi32>, vector<16xi32>], vector<16xf32>,
        %add3A_414 = arith.addi %gather3A_323, %add3A_27 : vector<16xi32>
        %gather3A_415 = tpu.vector_load_idx %arg7[%add3A_414] : memref<64512xi32, #tpu.memory_space<vmem>>[vector<16xi32>], vector<16xi32>,
        %bitcast3A_416 = vector.bitcast %gather3A_415 : vector<16xi32> to vector<32xbf16>
        %add3A_417 = arith.addi %gather3A_326, %add3A_27 : vector<16xi32>
        %gather3A_418 = tpu.vector_load_idx %arg7[%add3A_417] : memref<64512xi32, #tpu.memory_space<vmem>>[vector<16xi32>], vector<16xi32>,
        %bitcast3A_419 = vector.bitcast %gather3A_418 : vector<16xi32> to vector<32xbf16>
        %add3A_420 = arith.addf %bitcast3A_416, %bitcast3A_419 : vector<32xbf16>
        %add3A_421 = arith.addi %gather3A_329, %add3A_27 : vector<16xi32>
        %gather3A_422 = tpu.vector_load_idx %arg7[%add3A_421] : memref<64512xi32, #tpu.memory_space<vmem>>[vector<16xi32>], vector<16xi32>,
        %bitcast3A_423 = vector.bitcast %gather3A_422 : vector<16xi32> to vector<32xbf16>
        %add3A_424 = arith.addf %add3A_420, %bitcast3A_423 : vector<32xbf16>
        %add3A_425 = arith.addi %gather3A_332, %add3A_27 : vector<16xi32>
        %gather3A_426 = tpu.vector_load_idx %arg7[%add3A_425] : memref<64512xi32, #tpu.memory_space<vmem>>[vector<16xi32>], vector<16xi32>,
        %bitcast3A_427 = vector.bitcast %gather3A_426 : vector<16xi32> to vector<32xbf16>
        %add3A_428 = arith.addf %add3A_424, %bitcast3A_427 : vector<32xbf16>
        %mul3A_429 = arith.mulf %add3A_428, %pack3A : vector<32xbf16>
        %unpack3A_430 = tpu.unpack_subelements %mul3A_429, 0 {pack_format = #tpu.pack_format<interleaved>} : vector<32xbf16> -> vector<16xf32>
        %unpack3A_431 = tpu.unpack_subelements %mul3A_429, 1 {pack_format = #tpu.pack_format<interleaved>} : vector<32xbf16> -> vector<16xf32>
        %scatter3A_432 = arith.constant 0 : i32
        %scatter3A_433 = arith.constant 0 : i32
        %scatter3A_434 = arith.constant 0 : i32
        %scatter3A_435 = tpu.memref_slice %arg13[%scatter3A_432, %scatter3A_433, %scatter3A_434] : memref<2x32x256xf32, #tpu.memory_space<vmem>> -> memref<1x32x256xf32, #tpu.memory_space<vmem>>
        %scatter3A_436 = tpu.memref_squeeze %scatter3A_435 : memref<1x32x256xf32, #tpu.memory_space<vmem>> -> memref<32x256xf32, #tpu.memory_space<vmem>>
        tpu.vector_store_idx %scatter3A_436[%broadcast_in_dim3A_320, %add3A_51], %unpack3A_430 : memref<32x256xf32, #tpu.memory_space<vmem>>[vector<16xi32>, vector<16xi32>], vector<16xf32>,
        %scatter3A_437 = arith.constant 0 : i32
        %scatter3A_438 = arith.constant 0 : i32
        %scatter3A_439 = arith.constant 0 : i32
        %scatter3A_440 = tpu.memref_slice %arg13[%scatter3A_437, %scatter3A_438, %scatter3A_439] : memref<2x32x256xf32, #tpu.memory_space<vmem>> -> memref<1x32x256xf32, #tpu.memory_space<vmem>>
        %scatter3A_441 = tpu.memref_squeeze %scatter3A_440 : memref<1x32x256xf32, #tpu.memory_space<vmem>> -> memref<32x256xf32, #tpu.memory_space<vmem>>
        tpu.vector_store_idx %scatter3A_441[%broadcast_in_dim3A_320, %add3A_87], %unpack3A_431 : memref<32x256xf32, #tpu.memory_space<vmem>>[vector<16xi32>, vector<16xi32>], vector<16xf32>,
      }
      %scan3A_230 = arith.constant 32 : i32
      %mul3A_231 = arith.constant 32 : i32
      %mul3A_232 = arith.muli %add3A_193, %mul3A_231 : i32
      %add3A_233 = arith.addi %mul3A_2, %mul3A_232 : i32
      %dma_start3A_234 = arith.constant 0 : i32
      %dma_start3A_235 = arith.constant 0 : i32
      %dma_start3A_236 = arith.constant 0 : i32
      %dma_start3A_237 = tpu.memref_slice %arg13[%dma_start3A_234, %dma_start3A_235, %dma_start3A_236] : memref<2x32x256xf32, #tpu.memory_space<vmem>> -> memref<1x32x256xf32, #tpu.memory_space<vmem>>
      %dma_start3A_238 = tpu.memref_squeeze %dma_start3A_237 : memref<1x32x256xf32, #tpu.memory_space<vmem>> -> memref<32x256xf32, #tpu.memory_space<vmem>>
      %dma_start3A_239 = arith.constant 0 : i32
      %dma_start3A_240 = tpu.memref_slice %arg6[%add3A_233, %dma_start3A_239] : memref<51200x256xf32, #tpu.memory_space<hbm>> -> memref<32x256xf32, #tpu.memory_space<hbm>>
      %dma_start3A_241 = arith.constant 0 : i32
      %dma_start3A_242 = tpu.memref_slice %arg6[%add3A_233, %dma_start3A_241] : memref<51200x256xf32, #tpu.memory_space<hbm>> -> memref<32x256xf32, #tpu.memory_space<hbm>>
      %dma_start3A_243 = arith.constant 0 : i32
      %dma_start3A_244 = arith.constant 0 : i32
      %dma_start3A_245 = tpu.memref_slice %arg13[%dma_start3A_234, %dma_start3A_243, %dma_start3A_244] : memref<2x32x256xf32, #tpu.memory_space<vmem>> -> memref<1x32x256xf32, #tpu.memory_space<vmem>>
      %dma_start3A_246 = tpu.memref_squeeze %dma_start3A_245 : memref<1x32x256xf32, #tpu.memory_space<vmem>> -> memref<32x256xf32, #tpu.memory_space<vmem>>
      tpu.enqueue_dma source(%dma_start3A_246 : memref<32x256xf32, #tpu.memory_space<vmem>>) target(%dma_start3A_242 : memref<32x256xf32, #tpu.memory_space<hbm>>) target_semaphore(%arg18 : memref<!tpu.dma_semaphore, #tpu.memory_space<semaphore_mem>>)
      %mul3A_247 = arith.constant 2 : i32
      %mul3A_248 = arith.muli %mul3A_247, %scan3A_189 : i32
      %add3A_249 = arith.constant 1 : i32
      %add3A_250 = arith.addi %mul3A_248, %add3A_249 : i32
      %dma_wait3A_251 = arith.constant 0 : i32
      %dma_wait3A_252 = arith.constant 0 : i32
      %dma_wait3A_253 = arith.constant 0 : i32
      %dma_wait3A_254 = tpu.memref_slice %arg13[%dma_wait3A_251, %dma_wait3A_252, %dma_wait3A_253] : memref<2x32x256xf32, #tpu.memory_space<vmem>> -> memref<1x32x256xf32, #tpu.memory_space<vmem>>
      %dma_wait3A_255 = tpu.memref_squeeze %dma_wait3A_254 : memref<1x32x256xf32, #tpu.memory_space<vmem>> -> memref<32x256xf32, #tpu.memory_space<vmem>>
      %dma_wait3A_256 = arith.constant 0 : i32
      %dma_wait3A_257 = arith.constant 0 : i32
      %dma_wait3A_258 = tpu.memref_slice %arg6[%dma_wait3A_256, %dma_wait3A_257] : memref<51200x256xf32, #tpu.memory_space<hbm>> -> memref<32x256xf32, #tpu.memory_space<hbm>>
      %dma_wait3A_259 = arith.constant 0 : i32
      %dma_wait3A_260 = arith.constant 0 : i32
      %dma_wait3A_261 = tpu.memref_slice %arg6[%dma_wait3A_259, %dma_wait3A_260] : memref<51200x256xf32, #tpu.memory_space<hbm>> -> memref<32x256xf32, #tpu.memory_space<hbm>>
      %dma_wait3A_262 = arith.constant 0 : i32
      %dma_wait3A_263 = arith.constant 0 : i32
      %dma_wait3A_264 = tpu.memref_slice %arg13[%dma_wait3A_251, %dma_wait3A_262, %dma_wait3A_263] : memref<2x32x256xf32, #tpu.memory_space<vmem>> -> memref<1x32x256xf32, #tpu.memory_space<vmem>>
      %dma_wait3A_265 = tpu.memref_squeeze %dma_wait3A_264 : memref<1x32x256xf32, #tpu.memory_space<vmem>> -> memref<32x256xf32, #tpu.memory_space<vmem>>
      tpu.wait_dma2 semaphore(%arg18 : memref<!tpu.dma_semaphore, #tpu.memory_space<semaphore_mem>>) src(%dma_wait3A_265 : memref<32x256xf32, #tpu.memory_space<vmem>>) dst(%dma_wait3A_261 : memref<32x256xf32, #tpu.memory_space<hbm>>)
      %lt3A_266 = arith.constant 24 : i32
      %lt3A_267 = arith.cmpi slt, %scan3A_189, %lt3A_266 : i32
      %convert_element_type3A_268 = arith.extui %lt3A_267 : i1 to i32
      %cond3A_269 = arith.constant 0 : i32
      %cond3A_270 = arith.cmpi ne, %convert_element_type3A_268, %cond3A_269 : i32
      scf.if %cond3A_270 {
        %add3A_309 = arith.constant 1 : i32
        %add3A_310 = arith.addi %add3A_250, %add3A_309 : i32
        %mul3A_311 = arith.constant 32 : i32
        %mul3A_312 = arith.muli %add3A_310, %mul3A_311 : i32
        %dma_start3A_313 = arith.constant 0 : i32
        %dma_start3A_314 = arith.constant 0 : i32
        %dma_start3A_315 = arith.constant 0 : i32
        %dma_start3A_316 = tpu.memref_slice %arg12[%dma_start3A_313, %dma_start3A_314, %dma_start3A_315] : memref<2x32x128xf32, #tpu.memory_space<vmem>> -> memref<1x32x128xf32, #tpu.memory_space<vmem>>
        %dma_start3A_317 = tpu.memref_squeeze %dma_start3A_316 : memref<1x32x128xf32, #tpu.memory_space<vmem>> -> memref<32x128xf32, #tpu.memory_space<vmem>>
        %dma_start3A_318 = tpu.memref_slice %arg8[%mul3A_312] : memref<1600xi32, #tpu.memory_space<vmem>> -> memref<32xi32, #tpu.memory_space<vmem>>
        %dma_start3A_319 = arith.constant 0 : i32
        %dma_start3A_320 = arith.constant 0 : i32
        %dma_start3A_321 = tpu.memref_slice %arg5[%dma_start3A_319, %dma_start3A_320] : memref<100000x128xf32, #tpu.memory_space<hbm>> -> memref<100000x128xf32, #tpu.memory_space<hbm>>
        tpu.enqueue_indirect_dma source(%dma_start3A_321 : memref<100000x128xf32, #tpu.memory_space<hbm>>) target(%dma_start3A_317 : memref<32x128xf32, #tpu.memory_space<vmem>>) offsets(%dma_start3A_318 : memref<32xi32, #tpu.memory_space<vmem>>) semaphore(%arg16 : memref<!tpu.dma_semaphore, #tpu.memory_space<semaphore_mem>>)
      } else {
      }
      %dma_wait3A_271 = arith.constant 1 : i32
      %dma_wait3A_272 = arith.constant 0 : i32
      %dma_wait3A_273 = arith.constant 0 : i32
      %dma_wait3A_274 = tpu.memref_slice %arg12[%dma_wait3A_271, %dma_wait3A_272, %dma_wait3A_273] : memref<2x32x128xf32, #tpu.memory_space<vmem>> -> memref<1x32x128xf32, #tpu.memory_space<vmem>>
      %dma_wait3A_275 = tpu.memref_squeeze %dma_wait3A_274 : memref<1x32x128xf32, #tpu.memory_space<vmem>> -> memref<32x128xf32, #tpu.memory_space<vmem>>
      %dma_wait3A_276 = arith.constant 0 : i32
      %dma_wait3A_277 = tpu.memref_slice %arg8[%dma_wait3A_276] : memref<1600xi32, #tpu.memory_space<vmem>> -> memref<32xi32, #tpu.memory_space<vmem>>
      %dma_wait3A_278 = arith.constant 0 : i32
      %dma_wait3A_279 = arith.constant 0 : i32
      %dma_wait3A_280 = tpu.memref_slice %arg5[%dma_wait3A_278, %dma_wait3A_279] : memref<100000x128xf32, #tpu.memory_space<hbm>> -> memref<100000x128xf32, #tpu.memory_space<hbm>>
      tpu.wait_indirect_dma semaphore(%arg17 : memref<!tpu.dma_semaphore, #tpu.memory_space<semaphore_mem>>) src(%dma_wait3A_280 : memref<100000x128xf32, #tpu.memory_space<hbm>>) dst(%dma_wait3A_275 : memref<32x128xf32, #tpu.memory_space<vmem>>)
      %scan3A_281 = arith.constant 0 : i32
      %scan3A_282 = arith.constant 0 : i32
      %scan3A_283 = arith.constant 32 : i32
      %scan3A_284 = arith.addi %scan3A_282, %scan3A_283 : i32
      %scan3A_285 = arith.constant 1 : i32
      scf.for %scan3A_309 = %scan3A_282 to %scan3A_284 step %scan3A_285  : i32 {
        %get3A = arith.constant 1 : i32
        %get3A_310 = arith.index_cast %get3A : i32 to index
        %get3A_311 = arith.index_cast %scan3A_309 : i32 to index
        %get3A_312 = arith.constant 0 : index
        %get3A_313 = tpu.vector_load %arg12[%get3A_310, %get3A_311, %get3A_312] {strides = array<i32>} : memref<2x32x128xf32, #tpu.memory_space<vmem>>, vector<16xf32>,
        %swap3A = arith.constant 1 : i32
        %swap3A_314 = arith.index_cast %swap3A : i32 to index
        %swap3A_315 = arith.index_cast %scan3A_309 : i32 to index
        %swap3A_316 = arith.constant 128 : index
        %swap3A_317 = tpu.vector_load %arg13[%swap3A_314, %swap3A_315, %swap3A_316] {strides = array<i32>} : memref<2x32x256xf32, #tpu.memory_space<vmem>>, vector<16xf32>,
        tpu.vector_store %arg13[%swap3A_314, %swap3A_315, %swap3A_316], %get3A_313 {strides = array<i32>} : memref<2x32x256xf32, #tpu.memory_space<vmem>>, vector<16xf32>,
        %get3A_318 = arith.constant 1 : i32
        %get3A_319 = arith.index_cast %get3A_318 : i32 to index
        %get3A_320 = arith.index_cast %scan3A_309 : i32 to index
        %get3A_321 = arith.constant 16 : index
        %get3A_322 = tpu.vector_load %arg12[%get3A_319, %get3A_320, %get3A_321] {strides = array<i32>} : memref<2x32x128xf32, #tpu.memory_space<vmem>>, vector<16xf32>,
        %swap3A_323 = arith.constant 1 : i32
        %swap3A_324 = arith.index_cast %swap3A_323 : i32 to index
        %swap3A_325 = arith.index_cast %scan3A_309 : i32 to index
        %swap3A_326 = arith.constant 144 : index
        %swap3A_327 = tpu.vector_load %arg13[%swap3A_324, %swap3A_325, %swap3A_326] {strides = array<i32>} : memref<2x32x256xf32, #tpu.memory_space<vmem>>, vector<16xf32>,
        tpu.vector_store %arg13[%swap3A_324, %swap3A_325, %swap3A_326], %get3A_322 {strides = array<i32>} : memref<2x32x256xf32, #tpu.memory_space<vmem>>, vector<16xf32>,
        %get3A_328 = arith.constant 1 : i32
        %get3A_329 = arith.index_cast %get3A_328 : i32 to index
        %get3A_330 = arith.index_cast %scan3A_309 : i32 to index
        %get3A_331 = arith.constant 32 : index
        %get3A_332 = tpu.vector_load %arg12[%get3A_329, %get3A_330, %get3A_331] {strides = array<i32>} : memref<2x32x128xf32, #tpu.memory_space<vmem>>, vector<16xf32>,
        %swap3A_333 = arith.constant 1 : i32
        %swap3A_334 = arith.index_cast %swap3A_333 : i32 to index
        %swap3A_335 = arith.index_cast %scan3A_309 : i32 to index
        %swap3A_336 = arith.constant 160 : index
        %swap3A_337 = tpu.vector_load %arg13[%swap3A_334, %swap3A_335, %swap3A_336] {strides = array<i32>} : memref<2x32x256xf32, #tpu.memory_space<vmem>>, vector<16xf32>,
        tpu.vector_store %arg13[%swap3A_334, %swap3A_335, %swap3A_336], %get3A_332 {strides = array<i32>} : memref<2x32x256xf32, #tpu.memory_space<vmem>>, vector<16xf32>,
        %get3A_338 = arith.constant 1 : i32
        %get3A_339 = arith.index_cast %get3A_338 : i32 to index
        %get3A_340 = arith.index_cast %scan3A_309 : i32 to index
        %get3A_341 = arith.constant 48 : index
        %get3A_342 = tpu.vector_load %arg12[%get3A_339, %get3A_340, %get3A_341] {strides = array<i32>} : memref<2x32x128xf32, #tpu.memory_space<vmem>>, vector<16xf32>,
        %swap3A_343 = arith.constant 1 : i32
        %swap3A_344 = arith.index_cast %swap3A_343 : i32 to index
        %swap3A_345 = arith.index_cast %scan3A_309 : i32 to index
        %swap3A_346 = arith.constant 176 : index
        %swap3A_347 = tpu.vector_load %arg13[%swap3A_344, %swap3A_345, %swap3A_346] {strides = array<i32>} : memref<2x32x256xf32, #tpu.memory_space<vmem>>, vector<16xf32>,
        tpu.vector_store %arg13[%swap3A_344, %swap3A_345, %swap3A_346], %get3A_342 {strides = array<i32>} : memref<2x32x256xf32, #tpu.memory_space<vmem>>, vector<16xf32>,
        %get3A_348 = arith.constant 1 : i32
        %get3A_349 = arith.index_cast %get3A_348 : i32 to index
        %get3A_350 = arith.index_cast %scan3A_309 : i32 to index
        %get3A_351 = arith.constant 64 : index
        %get3A_352 = tpu.vector_load %arg12[%get3A_349, %get3A_350, %get3A_351] {strides = array<i32>} : memref<2x32x128xf32, #tpu.memory_space<vmem>>, vector<16xf32>,
        %swap3A_353 = arith.constant 1 : i32
        %swap3A_354 = arith.index_cast %swap3A_353 : i32 to index
        %swap3A_355 = arith.index_cast %scan3A_309 : i32 to index
        %swap3A_356 = arith.constant 192 : index
        %swap3A_357 = tpu.vector_load %arg13[%swap3A_354, %swap3A_355, %swap3A_356] {strides = array<i32>} : memref<2x32x256xf32, #tpu.memory_space<vmem>>, vector<16xf32>,
        tpu.vector_store %arg13[%swap3A_354, %swap3A_355, %swap3A_356], %get3A_352 {strides = array<i32>} : memref<2x32x256xf32, #tpu.memory_space<vmem>>, vector<16xf32>,
        %get3A_358 = arith.constant 1 : i32
        %get3A_359 = arith.index_cast %get3A_358 : i32 to index
        %get3A_360 = arith.index_cast %scan3A_309 : i32 to index
        %get3A_361 = arith.constant 80 : index
        %get3A_362 = tpu.vector_load %arg12[%get3A_359, %get3A_360, %get3A_361] {strides = array<i32>} : memref<2x32x128xf32, #tpu.memory_space<vmem>>, vector<16xf32>,
        %swap3A_363 = arith.constant 1 : i32
        %swap3A_364 = arith.index_cast %swap3A_363 : i32 to index
        %swap3A_365 = arith.index_cast %scan3A_309 : i32 to index
        %swap3A_366 = arith.constant 208 : index
        %swap3A_367 = tpu.vector_load %arg13[%swap3A_364, %swap3A_365, %swap3A_366] {strides = array<i32>} : memref<2x32x256xf32, #tpu.memory_space<vmem>>, vector<16xf32>,
        tpu.vector_store %arg13[%swap3A_364, %swap3A_365, %swap3A_366], %get3A_362 {strides = array<i32>} : memref<2x32x256xf32, #tpu.memory_space<vmem>>, vector<16xf32>,
        %get3A_368 = arith.constant 1 : i32
        %get3A_369 = arith.index_cast %get3A_368 : i32 to index
        %get3A_370 = arith.index_cast %scan3A_309 : i32 to index
        %get3A_371 = arith.constant 96 : index
        %get3A_372 = tpu.vector_load %arg12[%get3A_369, %get3A_370, %get3A_371] {strides = array<i32>} : memref<2x32x128xf32, #tpu.memory_space<vmem>>, vector<16xf32>,
        %swap3A_373 = arith.constant 1 : i32
        %swap3A_374 = arith.index_cast %swap3A_373 : i32 to index
        %swap3A_375 = arith.index_cast %scan3A_309 : i32 to index
        %swap3A_376 = arith.constant 224 : index
        %swap3A_377 = tpu.vector_load %arg13[%swap3A_374, %swap3A_375, %swap3A_376] {strides = array<i32>} : memref<2x32x256xf32, #tpu.memory_space<vmem>>, vector<16xf32>,
        tpu.vector_store %arg13[%swap3A_374, %swap3A_375, %swap3A_376], %get3A_372 {strides = array<i32>} : memref<2x32x256xf32, #tpu.memory_space<vmem>>, vector<16xf32>,
        %get3A_378 = arith.constant 1 : i32
        %get3A_379 = arith.index_cast %get3A_378 : i32 to index
        %get3A_380 = arith.index_cast %scan3A_309 : i32 to index
        %get3A_381 = arith.constant 112 : index
        %get3A_382 = tpu.vector_load %arg12[%get3A_379, %get3A_380, %get3A_381] {strides = array<i32>} : memref<2x32x128xf32, #tpu.memory_space<vmem>>, vector<16xf32>,
        %swap3A_383 = arith.constant 1 : i32
        %swap3A_384 = arith.index_cast %swap3A_383 : i32 to index
        %swap3A_385 = arith.index_cast %scan3A_309 : i32 to index
        %swap3A_386 = arith.constant 240 : index
        %swap3A_387 = tpu.vector_load %arg13[%swap3A_384, %swap3A_385, %swap3A_386] {strides = array<i32>} : memref<2x32x256xf32, #tpu.memory_space<vmem>>, vector<16xf32>,
        tpu.vector_store %arg13[%swap3A_384, %swap3A_385, %swap3A_386], %get3A_382 {strides = array<i32>} : memref<2x32x256xf32, #tpu.memory_space<vmem>>, vector<16xf32>,
      }
      %scan3A_286 = arith.constant 32 : i32
      %scan3A_287 = arith.constant 0 : i32
      %scan3A_288 = arith.constant 0 : i32
      %scan3A_289 = arith.constant 32 : i32
      %scan3A_290 = arith.addi %scan3A_288, %scan3A_289 : i32
      %scan3A_291 = arith.constant 1 : i32
      scf.for %scan3A_309 = %scan3A_288 to %scan3A_290 step %scan3A_291  : i32 {
        %mul3A_310 = arith.constant 32 : i32
        %mul3A_311 = arith.muli %add3A_250, %mul3A_310 : i32
        %add3A_312 = arith.addi %mul3A_311, %scan3A_309 : i32
        %mul3A_313 = arith.constant 4 : i32
        %mul3A_314 = arith.muli %mul3A_313, %add3A_312 : i32
        %get3A = arith.index_cast %mul3A_314 : i32 to index
        %get3A_315 = tpu.vector_load %arg10[%get3A] {strides = array<i32>} : memref<6416xi32, #tpu.memory_space<vmem>>, vector<16xi32>,
        %get3A_316 = arith.index_cast %mul3A_314 : i32 to index
        %get3A_317 = tpu.vector_load %arg11[%get3A_316] {strides = array<i32>} : memref<6416xf32, #tpu.memory_space<vmem>>, vector<16xf32>,
        %broadcast_in_dim3A_318 = vector.shape_cast %broadcast_in_dim3A_96 : vector<16xi32> to vector<16x1xi32>
        %gather3A = vector.shape_cast %broadcast_in_dim3A_318 : vector<16x1xi32> to vector<16xi32>
        %gather3A_319 = tpu.dynamic_gather %get3A_317[%gather3A] in [0] : vector<16xf32>, vector<16xi32> -> vector<16xf32>
        %pack3A = tpu.pack_subelements %gather3A_319, %gather3A_319 {pack_format = #tpu.pack_format<interleaved>, positions = array<i32: 0, 1>} : vector<16xf32>, vector<16xf32> -> vector<32xbf16>
        %broadcast_in_dim3A_320 = vector.broadcast %scan3A_309 : i32 to vector<16xi32>
        %broadcast_in_dim3A_321 = vector.shape_cast %broadcast_in_dim3A_88 : vector<16xi32> to vector<16x1xi32>
        %gather3A_322 = vector.shape_cast %broadcast_in_dim3A_321 : vector<16x1xi32> to vector<16xi32>
        %gather3A_323 = tpu.dynamic_gather %get3A_315[%gather3A_322] in [0] : vector<16xi32>, vector<16xi32> -> vector<16xi32>
        %broadcast_in_dim3A_324 = vector.shape_cast %broadcast_in_dim3A_90 : vector<16xi32> to vector<16x1xi32>
        %gather3A_325 = vector.shape_cast %broadcast_in_dim3A_324 : vector<16x1xi32> to vector<16xi32>
        %gather3A_326 = tpu.dynamic_gather %get3A_315[%gather3A_325] in [0] : vector<16xi32>, vector<16xi32> -> vector<16xi32>
        %broadcast_in_dim3A_327 = vector.shape_cast %broadcast_in_dim3A_92 : vector<16xi32> to vector<16x1xi32>
        %gather3A_328 = vector.shape_cast %broadcast_in_dim3A_327 : vector<16x1xi32> to vector<16xi32>
        %gather3A_329 = tpu.dynamic_gather %get3A_315[%gather3A_328] in [0] : vector<16xi32>, vector<16xi32> -> vector<16xi32>
        %broadcast_in_dim3A_330 = vector.shape_cast %broadcast_in_dim3A_94 : vector<16xi32> to vector<16x1xi32>
        %gather3A_331 = vector.shape_cast %broadcast_in_dim3A_330 : vector<16x1xi32> to vector<16xi32>
        %gather3A_332 = tpu.dynamic_gather %get3A_315[%gather3A_331] in [0] : vector<16xi32>, vector<16xi32> -> vector<16xi32>
        %add3A_333 = arith.addi %gather3A_323, %add3A_18 : vector<16xi32>
        %gather3A_334 = tpu.vector_load_idx %arg7[%add3A_333] : memref<64512xi32, #tpu.memory_space<vmem>>[vector<16xi32>], vector<16xi32>,
        %bitcast3A = vector.bitcast %gather3A_334 : vector<16xi32> to vector<32xbf16>
        %add3A_335 = arith.addi %gather3A_326, %add3A_18 : vector<16xi32>
        %gather3A_336 = tpu.vector_load_idx %arg7[%add3A_335] : memref<64512xi32, #tpu.memory_space<vmem>>[vector<16xi32>], vector<16xi32>,
        %bitcast3A_337 = vector.bitcast %gather3A_336 : vector<16xi32> to vector<32xbf16>
        %add3A_338 = arith.addf %bitcast3A, %bitcast3A_337 : vector<32xbf16>
        %add3A_339 = arith.addi %gather3A_329, %add3A_18 : vector<16xi32>
        %gather3A_340 = tpu.vector_load_idx %arg7[%add3A_339] : memref<64512xi32, #tpu.memory_space<vmem>>[vector<16xi32>], vector<16xi32>,
        %bitcast3A_341 = vector.bitcast %gather3A_340 : vector<16xi32> to vector<32xbf16>
        %add3A_342 = arith.addf %add3A_338, %bitcast3A_341 : vector<32xbf16>
        %add3A_343 = arith.addi %gather3A_332, %add3A_18 : vector<16xi32>
        %gather3A_344 = tpu.vector_load_idx %arg7[%add3A_343] : memref<64512xi32, #tpu.memory_space<vmem>>[vector<16xi32>], vector<16xi32>,
        %bitcast3A_345 = vector.bitcast %gather3A_344 : vector<16xi32> to vector<32xbf16>
        %add3A_346 = arith.addf %add3A_342, %bitcast3A_345 : vector<32xbf16>
        %mul3A_347 = arith.mulf %add3A_346, %pack3A : vector<32xbf16>
        %unpack3A = tpu.unpack_subelements %mul3A_347, 0 {pack_format = #tpu.pack_format<interleaved>} : vector<32xbf16> -> vector<16xf32>
        %unpack3A_348 = tpu.unpack_subelements %mul3A_347, 1 {pack_format = #tpu.pack_format<interleaved>} : vector<32xbf16> -> vector<16xf32>
        %scatter3A = arith.constant 1 : i32
        %scatter3A_349 = arith.constant 0 : i32
        %scatter3A_350 = arith.constant 0 : i32
        %scatter3A_351 = tpu.memref_slice %arg13[%scatter3A, %scatter3A_349, %scatter3A_350] : memref<2x32x256xf32, #tpu.memory_space<vmem>> -> memref<1x32x256xf32, #tpu.memory_space<vmem>>
        %scatter3A_352 = tpu.memref_squeeze %scatter3A_351 : memref<1x32x256xf32, #tpu.memory_space<vmem>> -> memref<32x256xf32, #tpu.memory_space<vmem>>
        tpu.vector_store_idx %scatter3A_352[%broadcast_in_dim3A_320, %add3A_33], %unpack3A : memref<32x256xf32, #tpu.memory_space<vmem>>[vector<16xi32>, vector<16xi32>], vector<16xf32>,
        %scatter3A_353 = arith.constant 1 : i32
        %scatter3A_354 = arith.constant 0 : i32
        %scatter3A_355 = arith.constant 0 : i32
        %scatter3A_356 = tpu.memref_slice %arg13[%scatter3A_353, %scatter3A_354, %scatter3A_355] : memref<2x32x256xf32, #tpu.memory_space<vmem>> -> memref<1x32x256xf32, #tpu.memory_space<vmem>>
        %scatter3A_357 = tpu.memref_squeeze %scatter3A_356 : memref<1x32x256xf32, #tpu.memory_space<vmem>> -> memref<32x256xf32, #tpu.memory_space<vmem>>
        tpu.vector_store_idx %scatter3A_357[%broadcast_in_dim3A_320, %add3A_60], %unpack3A_348 : memref<32x256xf32, #tpu.memory_space<vmem>>[vector<16xi32>, vector<16xi32>], vector<16xf32>,
        %add3A_358 = arith.addi %gather3A_323, %add3A_21 : vector<16xi32>
        %gather3A_359 = tpu.vector_load_idx %arg7[%add3A_358] : memref<64512xi32, #tpu.memory_space<vmem>>[vector<16xi32>], vector<16xi32>,
        %bitcast3A_360 = vector.bitcast %gather3A_359 : vector<16xi32> to vector<32xbf16>
        %add3A_361 = arith.addi %gather3A_326, %add3A_21 : vector<16xi32>
        %gather3A_362 = tpu.vector_load_idx %arg7[%add3A_361] : memref<64512xi32, #tpu.memory_space<vmem>>[vector<16xi32>], vector<16xi32>,
        %bitcast3A_363 = vector.bitcast %gather3A_362 : vector<16xi32> to vector<32xbf16>
        %add3A_364 = arith.addf %bitcast3A_360, %bitcast3A_363 : vector<32xbf16>
        %add3A_365 = arith.addi %gather3A_329, %add3A_21 : vector<16xi32>
        %gather3A_366 = tpu.vector_load_idx %arg7[%add3A_365] : memref<64512xi32, #tpu.memory_space<vmem>>[vector<16xi32>], vector<16xi32>,
        %bitcast3A_367 = vector.bitcast %gather3A_366 : vector<16xi32> to vector<32xbf16>
        %add3A_368 = arith.addf %add3A_364, %bitcast3A_367 : vector<32xbf16>
        %add3A_369 = arith.addi %gather3A_332, %add3A_21 : vector<16xi32>
        %gather3A_370 = tpu.vector_load_idx %arg7[%add3A_369] : memref<64512xi32, #tpu.memory_space<vmem>>[vector<16xi32>], vector<16xi32>,
        %bitcast3A_371 = vector.bitcast %gather3A_370 : vector<16xi32> to vector<32xbf16>
        %add3A_372 = arith.addf %add3A_368, %bitcast3A_371 : vector<32xbf16>
        %mul3A_373 = arith.mulf %add3A_372, %pack3A : vector<32xbf16>
        %unpack3A_374 = tpu.unpack_subelements %mul3A_373, 0 {pack_format = #tpu.pack_format<interleaved>} : vector<32xbf16> -> vector<16xf32>
        %unpack3A_375 = tpu.unpack_subelements %mul3A_373, 1 {pack_format = #tpu.pack_format<interleaved>} : vector<32xbf16> -> vector<16xf32>
        %scatter3A_376 = arith.constant 1 : i32
        %scatter3A_377 = arith.constant 0 : i32
        %scatter3A_378 = arith.constant 0 : i32
        %scatter3A_379 = tpu.memref_slice %arg13[%scatter3A_376, %scatter3A_377, %scatter3A_378] : memref<2x32x256xf32, #tpu.memory_space<vmem>> -> memref<1x32x256xf32, #tpu.memory_space<vmem>>
        %scatter3A_380 = tpu.memref_squeeze %scatter3A_379 : memref<1x32x256xf32, #tpu.memory_space<vmem>> -> memref<32x256xf32, #tpu.memory_space<vmem>>
        tpu.vector_store_idx %scatter3A_380[%broadcast_in_dim3A_320, %add3A_39], %unpack3A_374 : memref<32x256xf32, #tpu.memory_space<vmem>>[vector<16xi32>, vector<16xi32>], vector<16xf32>,
        %scatter3A_381 = arith.constant 1 : i32
        %scatter3A_382 = arith.constant 0 : i32
        %scatter3A_383 = arith.constant 0 : i32
        %scatter3A_384 = tpu.memref_slice %arg13[%scatter3A_381, %scatter3A_382, %scatter3A_383] : memref<2x32x256xf32, #tpu.memory_space<vmem>> -> memref<1x32x256xf32, #tpu.memory_space<vmem>>
        %scatter3A_385 = tpu.memref_squeeze %scatter3A_384 : memref<1x32x256xf32, #tpu.memory_space<vmem>> -> memref<32x256xf32, #tpu.memory_space<vmem>>
        tpu.vector_store_idx %scatter3A_385[%broadcast_in_dim3A_320, %add3A_69], %unpack3A_375 : memref<32x256xf32, #tpu.memory_space<vmem>>[vector<16xi32>, vector<16xi32>], vector<16xf32>,
        %add3A_386 = arith.addi %gather3A_323, %add3A_24 : vector<16xi32>
        %gather3A_387 = tpu.vector_load_idx %arg7[%add3A_386] : memref<64512xi32, #tpu.memory_space<vmem>>[vector<16xi32>], vector<16xi32>,
        %bitcast3A_388 = vector.bitcast %gather3A_387 : vector<16xi32> to vector<32xbf16>
        %add3A_389 = arith.addi %gather3A_326, %add3A_24 : vector<16xi32>
        %gather3A_390 = tpu.vector_load_idx %arg7[%add3A_389] : memref<64512xi32, #tpu.memory_space<vmem>>[vector<16xi32>], vector<16xi32>,
        %bitcast3A_391 = vector.bitcast %gather3A_390 : vector<16xi32> to vector<32xbf16>
        %add3A_392 = arith.addf %bitcast3A_388, %bitcast3A_391 : vector<32xbf16>
        %add3A_393 = arith.addi %gather3A_329, %add3A_24 : vector<16xi32>
        %gather3A_394 = tpu.vector_load_idx %arg7[%add3A_393] : memref<64512xi32, #tpu.memory_space<vmem>>[vector<16xi32>], vector<16xi32>,
        %bitcast3A_395 = vector.bitcast %gather3A_394 : vector<16xi32> to vector<32xbf16>
        %add3A_396 = arith.addf %add3A_392, %bitcast3A_395 : vector<32xbf16>
        %add3A_397 = arith.addi %gather3A_332, %add3A_24 : vector<16xi32>
        %gather3A_398 = tpu.vector_load_idx %arg7[%add3A_397] : memref<64512xi32, #tpu.memory_space<vmem>>[vector<16xi32>], vector<16xi32>,
        %bitcast3A_399 = vector.bitcast %gather3A_398 : vector<16xi32> to vector<32xbf16>
        %add3A_400 = arith.addf %add3A_396, %bitcast3A_399 : vector<32xbf16>
        %mul3A_401 = arith.mulf %add3A_400, %pack3A : vector<32xbf16>
        %unpack3A_402 = tpu.unpack_subelements %mul3A_401, 0 {pack_format = #tpu.pack_format<interleaved>} : vector<32xbf16> -> vector<16xf32>
        %unpack3A_403 = tpu.unpack_subelements %mul3A_401, 1 {pack_format = #tpu.pack_format<interleaved>} : vector<32xbf16> -> vector<16xf32>
        %scatter3A_404 = arith.constant 1 : i32
        %scatter3A_405 = arith.constant 0 : i32
        %scatter3A_406 = arith.constant 0 : i32
        %scatter3A_407 = tpu.memref_slice %arg13[%scatter3A_404, %scatter3A_405, %scatter3A_406] : memref<2x32x256xf32, #tpu.memory_space<vmem>> -> memref<1x32x256xf32, #tpu.memory_space<vmem>>
        %scatter3A_408 = tpu.memref_squeeze %scatter3A_407 : memref<1x32x256xf32, #tpu.memory_space<vmem>> -> memref<32x256xf32, #tpu.memory_space<vmem>>
        tpu.vector_store_idx %scatter3A_408[%broadcast_in_dim3A_320, %add3A_45], %unpack3A_402 : memref<32x256xf32, #tpu.memory_space<vmem>>[vector<16xi32>, vector<16xi32>], vector<16xf32>,
        %scatter3A_409 = arith.constant 1 : i32
        %scatter3A_410 = arith.constant 0 : i32
        %scatter3A_411 = arith.constant 0 : i32
        %scatter3A_412 = tpu.memref_slice %arg13[%scatter3A_409, %scatter3A_410, %scatter3A_411] : memref<2x32x256xf32, #tpu.memory_space<vmem>> -> memref<1x32x256xf32, #tpu.memory_space<vmem>>
        %scatter3A_413 = tpu.memref_squeeze %scatter3A_412 : memref<1x32x256xf32, #tpu.memory_space<vmem>> -> memref<32x256xf32, #tpu.memory_space<vmem>>
        tpu.vector_store_idx %scatter3A_413[%broadcast_in_dim3A_320, %add3A_78], %unpack3A_403 : memref<32x256xf32, #tpu.memory_space<vmem>>[vector<16xi32>, vector<16xi32>], vector<16xf32>,
        %add3A_414 = arith.addi %gather3A_323, %add3A_27 : vector<16xi32>
        %gather3A_415 = tpu.vector_load_idx %arg7[%add3A_414] : memref<64512xi32, #tpu.memory_space<vmem>>[vector<16xi32>], vector<16xi32>,
        %bitcast3A_416 = vector.bitcast %gather3A_415 : vector<16xi32> to vector<32xbf16>
        %add3A_417 = arith.addi %gather3A_326, %add3A_27 : vector<16xi32>
        %gather3A_418 = tpu.vector_load_idx %arg7[%add3A_417] : memref<64512xi32, #tpu.memory_space<vmem>>[vector<16xi32>], vector<16xi32>,
        %bitcast3A_419 = vector.bitcast %gather3A_418 : vector<16xi32> to vector<32xbf16>
        %add3A_420 = arith.addf %bitcast3A_416, %bitcast3A_419 : vector<32xbf16>
        %add3A_421 = arith.addi %gather3A_329, %add3A_27 : vector<16xi32>
        %gather3A_422 = tpu.vector_load_idx %arg7[%add3A_421] : memref<64512xi32, #tpu.memory_space<vmem>>[vector<16xi32>], vector<16xi32>,
        %bitcast3A_423 = vector.bitcast %gather3A_422 : vector<16xi32> to vector<32xbf16>
        %add3A_424 = arith.addf %add3A_420, %bitcast3A_423 : vector<32xbf16>
        %add3A_425 = arith.addi %gather3A_332, %add3A_27 : vector<16xi32>
        %gather3A_426 = tpu.vector_load_idx %arg7[%add3A_425] : memref<64512xi32, #tpu.memory_space<vmem>>[vector<16xi32>], vector<16xi32>,
        %bitcast3A_427 = vector.bitcast %gather3A_426 : vector<16xi32> to vector<32xbf16>
        %add3A_428 = arith.addf %add3A_424, %bitcast3A_427 : vector<32xbf16>
        %mul3A_429 = arith.mulf %add3A_428, %pack3A : vector<32xbf16>
        %unpack3A_430 = tpu.unpack_subelements %mul3A_429, 0 {pack_format = #tpu.pack_format<interleaved>} : vector<32xbf16> -> vector<16xf32>
        %unpack3A_431 = tpu.unpack_subelements %mul3A_429, 1 {pack_format = #tpu.pack_format<interleaved>} : vector<32xbf16> -> vector<16xf32>
        %scatter3A_432 = arith.constant 1 : i32
        %scatter3A_433 = arith.constant 0 : i32
        %scatter3A_434 = arith.constant 0 : i32
        %scatter3A_435 = tpu.memref_slice %arg13[%scatter3A_432, %scatter3A_433, %scatter3A_434] : memref<2x32x256xf32, #tpu.memory_space<vmem>> -> memref<1x32x256xf32, #tpu.memory_space<vmem>>
        %scatter3A_436 = tpu.memref_squeeze %scatter3A_435 : memref<1x32x256xf32, #tpu.memory_space<vmem>> -> memref<32x256xf32, #tpu.memory_space<vmem>>
        tpu.vector_store_idx %scatter3A_436[%broadcast_in_dim3A_320, %add3A_51], %unpack3A_430 : memref<32x256xf32, #tpu.memory_space<vmem>>[vector<16xi32>, vector<16xi32>], vector<16xf32>,
        %scatter3A_437 = arith.constant 1 : i32
        %scatter3A_438 = arith.constant 0 : i32
        %scatter3A_439 = arith.constant 0 : i32
        %scatter3A_440 = tpu.memref_slice %arg13[%scatter3A_437, %scatter3A_438, %scatter3A_439] : memref<2x32x256xf32, #tpu.memory_space<vmem>> -> memref<1x32x256xf32, #tpu.memory_space<vmem>>
        %scatter3A_441 = tpu.memref_squeeze %scatter3A_440 : memref<1x32x256xf32, #tpu.memory_space<vmem>> -> memref<32x256xf32, #tpu.memory_space<vmem>>
        tpu.vector_store_idx %scatter3A_441[%broadcast_in_dim3A_320, %add3A_87], %unpack3A_431 : memref<32x256xf32, #tpu.memory_space<vmem>>[vector<16xi32>, vector<16xi32>], vector<16xf32>,
      }
      %scan3A_292 = arith.constant 32 : i32
      %mul3A_293 = arith.constant 32 : i32
      %mul3A_294 = arith.muli %add3A_250, %mul3A_293 : i32
      %add3A_295 = arith.addi %mul3A_2, %mul3A_294 : i32
      %dma_start3A_296 = arith.constant 1 : i32
      %dma_start3A_297 = arith.constant 0 : i32
      %dma_start3A_298 = arith.constant 0 : i32
      %dma_start3A_299 = tpu.memref_slice %arg13[%dma_start3A_296, %dma_start3A_297, %dma_start3A_298] : memref<2x32x256xf32, #tpu.memory_space<vmem>> -> memref<1x32x256xf32, #tpu.memory_space<vmem>>
      %dma_start3A_300 = tpu.memref_squeeze %dma_start3A_299 : memref<1x32x256xf32, #tpu.memory_space<vmem>> -> memref<32x256xf32, #tpu.memory_space<vmem>>
      %dma_start3A_301 = arith.constant 0 : i32
      %dma_start3A_302 = tpu.memref_slice %arg6[%add3A_295, %dma_start3A_301] : memref<51200x256xf32, #tpu.memory_space<hbm>> -> memref<32x256xf32, #tpu.memory_space<hbm>>
      %dma_start3A_303 = arith.constant 0 : i32
      %dma_start3A_304 = tpu.memref_slice %arg6[%add3A_295, %dma_start3A_303] : memref<51200x256xf32, #tpu.memory_space<hbm>> -> memref<32x256xf32, #tpu.memory_space<hbm>>
      %dma_start3A_305 = arith.constant 0 : i32
      %dma_start3A_306 = arith.constant 0 : i32
      %dma_start3A_307 = tpu.memref_slice %arg13[%dma_start3A_296, %dma_start3A_305, %dma_start3A_306] : memref<2x32x256xf32, #tpu.memory_space<vmem>> -> memref<1x32x256xf32, #tpu.memory_space<vmem>>
      %dma_start3A_308 = tpu.memref_squeeze %dma_start3A_307 : memref<1x32x256xf32, #tpu.memory_space<vmem>> -> memref<32x256xf32, #tpu.memory_space<vmem>>
      tpu.enqueue_dma source(%dma_start3A_308 : memref<32x256xf32, #tpu.memory_space<vmem>>) target(%dma_start3A_304 : memref<32x256xf32, #tpu.memory_space<hbm>>) target_semaphore(%arg19 : memref<!tpu.dma_semaphore, #tpu.memory_space<semaphore_mem>>)
    }
    %scan3A_173 = arith.constant 25 : i32
    %dma_wait3A_174 = arith.constant 1 : i32
    %dma_wait3A_175 = arith.constant 0 : i32
    %dma_wait3A_176 = arith.constant 0 : i32
    %dma_wait3A_177 = tpu.memref_slice %arg13[%dma_wait3A_174, %dma_wait3A_175, %dma_wait3A_176] : memref<2x32x256xf32, #tpu.memory_space<vmem>> -> memref<1x32x256xf32, #tpu.memory_space<vmem>>
    %dma_wait3A_178 = tpu.memref_squeeze %dma_wait3A_177 : memref<1x32x256xf32, #tpu.memory_space<vmem>> -> memref<32x256xf32, #tpu.memory_space<vmem>>
    %dma_wait3A_179 = arith.constant 0 : i32
    %dma_wait3A_180 = arith.constant 0 : i32
    %dma_wait3A_181 = tpu.memref_slice %arg6[%dma_wait3A_179, %dma_wait3A_180] : memref<51200x256xf32, #tpu.memory_space<hbm>> -> memref<32x256xf32, #tpu.memory_space<hbm>>
    %dma_wait3A_182 = arith.constant 0 : i32
    %dma_wait3A_183 = arith.constant 0 : i32
    %dma_wait3A_184 = tpu.memref_slice %arg6[%dma_wait3A_182, %dma_wait3A_183] : memref<51200x256xf32, #tpu.memory_space<hbm>> -> memref<32x256xf32, #tpu.memory_space<hbm>>
    %dma_wait3A_185 = arith.constant 0 : i32
    %dma_wait3A_186 = arith.constant 0 : i32
    %dma_wait3A_187 = tpu.memref_slice %arg13[%dma_wait3A_174, %dma_wait3A_185, %dma_wait3A_186] : memref<2x32x256xf32, #tpu.memory_space<vmem>> -> memref<1x32x256xf32, #tpu.memory_space<vmem>>
    %dma_wait3A_188 = tpu.memref_squeeze %dma_wait3A_187 : memref<1x32x256xf32, #tpu.memory_space<vmem>> -> memref<32x256xf32, #tpu.memory_space<vmem>>
    tpu.wait_dma2 semaphore(%arg19 : memref<!tpu.dma_semaphore, #tpu.memory_space<semaphore_mem>>) src(%dma_wait3A_188 : memref<32x256xf32, #tpu.memory_space<vmem>>) dst(%dma_wait3A_184 : memref<32x256xf32, #tpu.memory_space<hbm>>)
    return
  }
}

module attributes {stable_mosaic.version = 14 : i64} {
  func.func @_bf16_table_body(%arg0: memref<1008x128xf32, #tpu.memory_space<vmem>>, %arg1: memref<1008x128xbf16, #tpu.memory_space<vmem>>) attributes {dimension_semantics = [], scalar_prefetch = 0 : i64, scratch_operands = 0 : i64, tpu.core_type = #tpu.core_type<tc>} {
    %get3A = arith.constant 0 : index
    %get3A_0 = arith.constant 0 : index
    %get3A_1 = vector.load %arg0[%get3A, %get3A_0] : memref<1008x128xf32, #tpu.memory_space<vmem>>, vector<1008x128xf32>
    %convert_element_type3A = arith.truncf %get3A_1 : vector<1008x128xf32> to vector<1008x128xbf16>
    %swap3A = arith.constant 0 : index
    %swap3A_2 = arith.constant 0 : index
    %swap3A_3 = vector.load %arg1[%swap3A, %swap3A_2] : memref<1008x128xbf16, #tpu.memory_space<vmem>>, vector<1008x128xbf16>
    tpu.vector_store %arg1[%swap3A, %swap3A_2], %convert_element_type3A {strides = array<i32>} : memref<1008x128xbf16, #tpu.memory_space<vmem>>, vector<1008x128xbf16>,
    return
  }
}

</mosaic_0001>

<sc_bundles>
// kernel: kernel.4.cloned.1.call-start
scs
__scs_entry_jumppad:
0x0: {  	(pc) =	sbr.rel $0x88, $3  }
0x1: {  	(tag) =	ssettag $0x0;
	lr =	simm.s32 $0x1  }
0x2: {  	[smem:$0x3F9C] =	sst lr;
	_ =	strace $0xD0000000  }
0x3: {  	_ = 	snop  }
0x4: {  	_ = 	snop  }
0x5: {  	_ = 	snop  }
0x6: {  	_ = 	snop  }
0x7: {  	_ = 	snop  }
__scs_overlays_trampoline_lowered:
0x8: {  	[smem:$0x3FAB] =	sst s0  }
0x9: {  	[smem:$0x3FAC] =	sst s1  }
0xa: {  	[smem:$0x3FAD] =	sst s2  }
0xb: {  	[smem:$0x3FAE] =	sst s3  }
0xc: {  	[smem:$0x3FAF] =	sst s4  }
0xd: {  	[smem:$0x3FB0] =	sst s5  }
0xe: {  	[smem:$0x3FB1] =	sst s6  }
0xf: {  	[smem:$0x3FB2] =	sst s7  }
0x10: {  	[smem:$0x3FB3] =	sst s8  }
0x11: {  	[smem:$0x3FB4] =	sst s9;
	s0 =	simm.s32 @!p0 $0x0  }
0x12: {  	s1 =	sld [smem:$0x3F9A];
	s0 =	simm.s32 @p0 $0x1  }
0x13: {  	[smem:$0x3FB5] =	sst s0;
	s0 =	simm.s32 @!p1 $0x0  }
0x14: {  	s2 =	sld [smem:$0x3F99];
	s0 =	simm.s32 @p1 $0x1  }
0x15: {  	[smem:$0x3FB6] =	sst s0;
	s0 =	simm.s32 @!p2 $0x0  }
0x16: {  	s3 =	sld [smem:$0x3FDB];
	s0 =	simm.s32 @p2 $0x1  }
0x17: {  	s4 =	simm.s32 $0x1BF5;
	[smem:$0x3FB8] =	sst s0  }
0x18: {  	s0 =	sld [smem:$0x3F9B];
	_ =	swait.ge [sflag:s4], $0x0  }
0x19: {  	s7 =	sld [smem:$0x3F9C]  }
0x1a: {  	s8 =	sadd.s32 $0xFFFFE003, lr  }
0x1b: {  	s9 =	sadd.s32 $0xFFFFFEF7, lr;
	s5 =	simm.s32 $0xFFFFFFFF;
	p2 =	slt.u32 s8, $0xFFFFF086  }
0x1c: {  	p1 =	slt.u32 s9, $0xF7A;
	s5 =	simm.s32 @!p2 $0x0  }
0x1d: {  	s5 =	simm.s32 @p1 $0x1;
	p0 =	seq.s32 s7, s2  }
0x1e: {  	s7 =	smul.u32 @!p0 $0xF7A, s2;
	p2 =	seq.s32 @!p0 s5, $0x0  }
0x1f: {  	s9 =	smul.u32 $0xF7A, s1;
	s8 =	simm.s32 @!p0 $0x1BF5;
	p2 =	por !p2, p0  }
0x20: {  	[sflag:s8] =	ssyncset.s32 @!p0 $0xFFFFF086;
	s6 =	sadd.s32 @!p0 s3, s7;
	s7 =	simm.s32 @!p0 $0x108  }
0x21: {  	s3 =	sadd.s32 s3, s9;
	s6 =	sadd.s32 @!p0 $0x88, s6;
	s7 =	simm.s32 @p2 $0x1082  }
0x22: {  	[simem:s7], [sflag:s8] =	dma.local @!p0 [hbm:s6], $0xF7A  }
0x23: {  	s9 =	sor.u32 $0xD0000000, s2;
	s6 =	simm.s32 $0x108;
	_ =	swait.ge @!p0 [sflag:s8], $0x0  }
0x24: {  	s3 =	sadd.s32 $0x88, s3;
	s6 =	simm.s32 @!p1 $0x1082;
	[sflag:s4] =	ssyncset.s32 $0xFFFFF086  }
0x25: {  	[simem:s6], [sflag:s4] =	dma.local [hbm:s3], $0xF7A  }
0x26: {  	[smem:$0x3F9C] =	sst s1;
	(tag) =	ssettag s2;
	_ =	strace s9  }
0x27: {  	s1 =	sld [smem:$0x3FAC]  }
0x28: {  	s2 =	sld [smem:$0x3FAD]  }
0x29: {  	s4 =	sld [smem:$0x3FAF]  }
0x2a: {  	p0 =	seq.s32 s5, $0x0;
	s5 =	sld [smem:$0x3FB0]  }
0x2b: {  	s6 =	sld [smem:$0x3FB1]  }
0x2c: {  	s7 =	sld [smem:$0x3FB2]  }
0x2d: {  	s3 =	simm.s32 $0x108;
	s8 =	sld [smem:$0x3FB3]  }
0x2e: {  	s3 =	simm.s32 @!p0 $0x1082;
	s9 =	sld [smem:$0x3FB4]  }
0x2f: {  	lr =	sadd.s32 s0, s3;
	s0 =	sld [smem:$0x3FAB]  }
0x30: {  	s3 =	sld [smem:$0x3FAE]  }
0x31: {  	[smem:$0x3FB7] =	sst s10  }
0x32: {  	s10 =	sld [smem:$0x3FB5];
	_ =	sdelay $0x3  }
0x33: {  	p0 =	seq.s32 s10, $0x1;
	s10 =	sld [smem:$0x3FB7];
	_ =	sdelay $0x3  }
0x34: {  	[smem:$0x3FB7] =	sst s10  }
0x35: {  	s10 =	sld [smem:$0x3FB6];
	_ =	sdelay $0x3  }
0x36: {  	p1 =	seq.s32 s10, $0x1;
	s10 =	sld [smem:$0x3FB7];
	_ =	sdelay $0x3  }
0x37: {  	[smem:$0x3FB7] =	sst s10  }
0x38: {  	s10 =	sld [smem:$0x3FB8]  }
0x39: {  	_ = 	snop;
	(pc) =	sbr.ind lr, $3  }
0x3a: {  	_ = 	snop  }
0x3b: {  	_ = 	snop  }
0x3c: {  	p2 =	seq.s32 s10, $0x1;
	s10 =	sld [smem:$0x3FB7]  }
0x3d: {  	_ =	shalt  }
0x3e: {  	_ =	shalt  }
0x3f: {  	_ =	shalt  }
0x40: {  	_ =	shalt  }
0x41: {  	_ =	shalt  }
0x42: {  	_ =	shalt  }
0x43: {  	_ =	shalt  }
0x44: {  	_ =	shalt  }
0x45: {  	_ =	shalt  }
0x46: {  	_ =	shalt  }
0x47: {  	_ =	shalt  }
0x48: {  	_ =	shalt  }
0x49: {  	_ =	shalt  }
0x4a: {  	_ =	shalt  }
0x4b: {  	_ =	shalt  }
0x4c: {  	_ =	shalt  }
0x4d: {  	_ =	shalt  }
0x4e: {  	_ =	shalt  }
0x4f: {  	_ =	shalt  }
0x50: {  	_ =	shalt  }
0x51: {  	_ =	shalt  }
0x52: {  	_ =	shalt  }
0x53: {  	_ =	shalt  }
0x54: {  	_ =	shalt  }
0x55: {  	_ =	shalt  }
0x56: {  	_ =	shalt  }
0x57: {  	_ =	shalt  }
0x58: {  	_ =	shalt  }
0x59: {  	_ =	shalt  }
0x5a: {  	_ =	shalt  }
0x5b: {  	_ =	shalt  }
0x5c: {  	_ =	shalt  }
0x5d: {  	_ =	shalt  }
0x5e: {  	_ =	shalt  }
0x5f: {  	_ =	shalt  }
0x60: {  	_ =	shalt  }
0x61: {  	_ =	shalt  }
0x62: {  	_ =	shalt  }
0x63: {  	_ =	shalt  }
0x64: {  	_ =	shalt  }
0x65: {  	_ =	shalt  }
0x66: {  	_ =	shalt  }
0x67: {  	_ =	shalt  }
0x68: {  	_ =	shalt  }
0x69: {  	_ =	shalt  }
0x6a: {  	_ =	shalt  }
0x6b: {  	_ =	shalt  }
0x6c: {  	_ =	shalt  }
0x6d: {  	_ =	shalt  }
0x6e: {  	_ =	shalt  }
0x6f: {  	_ =	shalt  }
0x70: {  	_ =	shalt  }
0x71: {  	_ =	shalt  }
0x72: {  	_ =	shalt  }
0x73: {  	_ =	shalt  }
0x74: {  	_ =	shalt  }
0x75: {  	_ =	shalt  }
0x76: {  	_ =	shalt  }
0x77: {  	_ =	shalt  }
0x78: {  	_ =	shalt  }
0x79: {  	_ =	shalt  }
0x7a: {  	_ =	shalt  }
0x7b: {  	_ =	shalt  }
0x7c: {  	_ =	shalt  }
0x7d: {  	_ =	shalt  }
0x7e: {  	_ =	shalt  }
0x7f: {  	_ =	shalt  }
0x80: {  	_ =	shalt  }
0x81: {  	_ =	shalt  }
0x82: {  	_ =	shalt  }
0x83: {  	_ =	shalt  }
0x84: {  	_ =	shalt  }
0x85: {  	_ =	shalt  }
0x86: {  	_ =	shalt  }
0x87: {  	_ =	shalt  }
.Lfunc_end0:
.L_simem_size_0:
called_computation.1_lowered:
.L_overlay_start_0:
0x88: {  	s2 =	sld [smem:$0x3FD9]  }
0x89: {  	s3 =	sld [smem:$0x3FFE];
	_ =	sdelay $0x1  }
0x8a: {  	s1 =	srdreg.scid  }
0x8b: {  	s0 =	sand.u32 $0x1, s1  }
0x8c: {  	s17 =	sshll.u32 s0, $0xA;
	s2 =	sadd.s32 s3, s2  }
0x8d: {  	s2 =	sadd.s32 s2, s17  }
0x8e: {  	[smem:$0x3FC3] =	sst s2  }
0x8f: {  	_ = 	snop  }
0x90: {  	s2 =	sld [smem:$0x3FC8]  }
0x91: {  	s18 =	sld [smem:$0x3FD0];
	(tm) =	ssettm $0x1  }
0x92: {  	s4 =	sld [smem:$0x3FFB];
	_ =	sdelay $0x3  }
0x93: {  	_ =	strace s4  }
0x94: {  	s4 =	sld [smem:$0x3FFC];
	_ =	sdelay $0x3  }
0x95: {  	_ =	strace s4  }
0x96: {  	s4 =	sld [smem:$0x3FFD];
	_ =	sdelay $0x3  }
0x97: {  	_ =	strace s4  }
0x98: {  	_ =	strace $0x8FFFFFFF  }
0x99: {  	s19 =	sld [smem:$0x3FDB];
	_ =	sdelay $0x1  }
0x9a: {  	s5 =	simm.s32 $_scs_section_size  }
0x9b: {  	s6 =	simm.s32 $_size__tile_overlayer_lowered;
	s7 =	simm.s32 $_tile_overlayer_lowered  }
0x9c: {  	s22 =	simm.s32 $0x1BFF;
	s21 =	sshll.u32 s7, $0x1;
	s4 =	sadd.s32 s5, s19  }
0x9d: {  	s8 =	simm.s32 $0x0;
	s20 =	sshll.u32 s6, $0x1;
	s6 =	sadd.s32 s21, s4  }
0x9e: {  	[timem:s8], [sflag:s22] =	dma.local [hbm:s6], s20  }
0x9f: {  	_ =	swait.ge [sflag:s22], s20  }
0xa0: {  	s5 =	ssub.s32 $0x0, s20;
	[sflag:s22] =	ssyncset.done $0x0  }
0xa1: {  	[sflag:s22] =	ssyncadd.s32 s5;
	_ =	sdelay $0x1  }
0xa2: {  	s23 =	simm.s32 $0x1B8B  }
0xa3: {  	_ =	swait.ge [sflag:s23], $0x1  }
0xa4: {  	[sflag:s23] =	ssyncset.done $0x0  }
0xa5: {  	s25 =	simm.s32 $0x1B8E;
	s24 =	sld [smem:$0x3FFE];
	[sflag:s23] =	ssyncadd.s32 $0xFFFFFFFF  }
0xa6: {  	s26 =	simm.s32 $execute0_lowered;
	[smem:$0x3FD2] =	sst s25  }
0xa7: {  	s6 =	sshll.u32 s26, $0x1;
	_ =	strace $0x80000046;
	[dreg:$0x1] =	wrdreg $0xFFFFFFFF  }
0xa8: {  	s28 =	simm.s32 $_size_execute0_lowered;
	s4 =	sadd.s32 s4, s6;
	[dreg:$0x0] =	wrdreg $0x0  }
0xa9: {  	s6 =	sshll.u32 s28, $0x1;
	[dreg:$0x2] =	wrdreg s4  }
0xaa: {  	[dreg:$0x3] =	wrdreg s6  }
0xab: {  	[dreg:$0x4] =	wrdreg $0xC0  }
0xac: {  	_ =	task [dreg:s8], $0x5FFFF  }
0xad: {  	[dreg:$0x1] =	wrdreg $0xFFFFFFFF  }
0xae: {  	[dreg:$0x0] =	wrdreg $0x60  }
0xaf: {  	[dreg:$0x2] =	wrdreg s24  }
0xb0: {  	[dreg:$0x3] =	wrdreg s2  }
0xb1: {  	[dreg:$0x4] =	wrdreg s18  }
0xb2: {  	[dreg:$0x5] =	wrdreg $0x9  }
0xb3: {  	_ =	task.clear_ibuf [dreg:s8], $0x6FFFF;
	_ =	strace $0x90000046  }
0xb4: {  	s29 =	simm.s32 $0x9;
	_ =	strace $0x80000048  }
0xb5: {  	_ =	swait.ge [sflag:s29], $0x1  }
0xb6: {  	[sflag:s29] =	ssyncadd.s32 $0xFFFFFFFF  }
0xb7: {  	_ =	strace $0x90000048  }
0xb8: {  	_ =	sfence  }
0xb9: {  	s30 =	sld [smem:$0x0];
	_ =	sdelay $0x2  }
0xba: {  	s31 =	sshll.u32 s1, $0xD;
	s1 =	sshrl.u32 s1, $0x2  }
0xbb: {  	s3 =	sand.u32 $0x4000, s31;
	s1 =	sadd.s32 s1, s30  }
0xbc: {  	s0 =	sor.u32 s3, s0;
	s1 =	sshll.u32 s1, $0x11  }
0xbd: {  	s0 =	sor.u32 s1, s0  }
0xbe: {  	s0 =	sadd.s32 $0x8F2B, s0  }
0xbf: {  	[sflag:s0] =	ssyncadd.remote.s32 $0x1  }
0xc0: {  	_ =	sfence.sel $0xFFFF  }
0xc1: {  	[dreg:$0x0] =	wrdreg $0xFFFFFFFF;
	(pc) =	sbr.abs _section_cstart, $3  }
0xc2: {  	[dreg:$0x1] =	wrdreg $0xFFFFFFFF  }
0xc3: {  	_ =	task.clear_ibuf [dreg:s8], $0x2FFFF;
	_ =	strace $0x9FFFFFFF  }
0xc4: {  	(tm) =	ssettm $0x7FFFFFFF  }
0xc5: {  	_ =	shalt  }
tec
execute0_lowered:
.L_overlay_start_1:
0x0: {  	(tag) =	ssettag $0x1  }
0x1: {  	s0 =	rddreg [dreg:$0x0];
	s1 =	srdreg.scid  }
0x2: {  	s3 =	stileid.u32;
	s2 =	rddreg [dreg:$0x1]  }
0x3: {  	v0 =	vimm.s32 $0xEFCDAB89;
	s10 =	simm.s32 $0xFC00;
	s12 =	simm.s32 $0x7;
	s13 =	simm.s32 $0x190  }
0x4: {  	v1 =	vimm.s32 $0x67452301;
	v2 =	vimm.s32 $0xDCFE98BA;
	s14 =	simm.s32 $0x10240;
	s15 =	simm.s32 $0x2;
	s19 =	simm.s32 $0x1  }
0x5: {  	v3 =	vimm.s32 $0x54761032;
	vm0 =	vcmask $0x2F20;
	vm1 =	vcmask $0x1F10;
	s20 =	simm.s32 $0x20;
	s22 =	simm.s32 $0x15D60;
	s23 =	simm.s32 $0x3  }
0x6: {  	vm2 =	vmmov $0xf;
	s24 =	simm.s32 $0x16D60;
	s1 =	sand.u32 $0x1, s1;
	s4 =	sshll.u32 s3, $0x1;
	v0 =	vunpack.c.l.s4.s8 v0;
	v1 =	vunpack.c.l.s4.s8 v1  }
0x7: {  	v6 =	vimm.s32 $0x2;
	s25 =	simm.s32 $0x5;
	s28 =	simm.s32 $0x18D60;
	v2 =	vunpack.c.l.s4.s8 v2;
	v3 =	vunpack.c.l.s4.s8 v3;
	s7 =	sor.u32 s1, s4  }
0x8: {  	v7 =	vimm.s32 $0x3;
	s3 =	rddreg [dreg:$0x2];
	s4 =	simm.s32 $0x0;
	s5 =	smul.u32 $0x640, s7;
	v4 =	vunpack.c.0.s8.s32 v0;
	v1 =	vunpack.c.0.s8.s32 v1  }
0x9: {  	s29 =	simm.s32 $0x6;
	s1 =	ssub.s32 $0x2, s1;
	[smem:$0x7FF] =	sst s4;
	v5 =	vunpack.c.0.s8.s32 v2;
	v3 =	vunpack.c.0.s8.s32 v3;
	v0 =	vlaneseq.u32  }
0xa: {  	s9 =	sshrl.u32 s1, $0x1;
	_ =	strace $0x80000047;
	v2 =	vmul.u32 $0x2, v0;
	v9 =	vor.u32 $0x10, v0;
	v12 =	vor.u32 $0x20, v0;
	s6 =	sshrl.u32 s5, $0x3  }
0xb: {  	v15 =	vor.u32 $0x30, v0;
	v1 =	vcombine.low v1, v4;
	v3 =	vcombine.low v3, v5;
	s8 =	sadd.s32 s6, s0;
	s6 =	sadd.s32 $0x4400, s0;
	s0 =	sadd.s32 $0xA00, s0  }
0xc: {  	s26 =	ssub.s32 s1, s9;
	v4 =	vimm.s32 $0x0;
	v5 =	vimm.s32 $0x1;
	v8 =	vor.u32 $0x1, v2;
	[dreg:$0x4] =	wrdreg s0;
	s31 =	sadd.s32 $0x2A00, s8  }
0xd: {  	s30 =	simm.s32 $0x0;
	v10 =	vor.u32 $0x20, v2;
	v11 =	vor.u32 $0x21, v2;
	v13 =	vor.u32 $0x40, v2;
	s0 =	smax.u32 s26, $0x1;
	[dreg:$0x5] =	wrdreg s31  }
0xe: {  	s9 =	smul.u32 $0x64000, s7;
	v14 =	vor.u32 $0x41, v2;
	v16 =	vor.u32 $0x60, v2;
	v17 =	vor.u32 $0x61, v2;
	s26 =	simm.s32 $0x4;
	[dreg:$0x6] =	wrdreg s0  }
.LBB2_1:
0xf: {  	s0 =	rddreg [dreg:$0x4]  }
0x10: {  	[tilespmem:s4], [sflag:$0x1] =	stream.linear.gather [hbm4b:s0+s4], $0xFC00, $0x38;
	[tilespmem:$0x1AD60] =	vst v63  }
0x11: {  	s31 =	rddreg [dreg:$0x5]  }
0x12: {  	[tilespmem:s10], [sflag:$0x7] =	stream.linear.gather [hbm4b:s31+s4], $0x640, $0x38;
	[tilespmem:$0x1AD60] =	vst v63  }
0x13: {  	_ =	swait.ge [sflag:s12], $0x640  }
0x14: {  	[sflag:s12] =	ssyncset.done $0x0  }
0x15: {  	[sflag:s12] =	ssyncadd.s32 $0xFFFFF9C0  }
0x16: {  	[tilespmem:s14], [sflag:$0x2] =	stream.indirect.gather [hbm4b:s6+s13], $0x10, s10, s13, $0xb8;
	[tilespmem:$0x1AD60] =	vst v63  }
0x17: {  	_ =	swait.ge [sflag:s15], $0x1900  }
0x18: {  	[sflag:s15] =	ssyncset.done $0x0  }
0x19: {  	s1 =	simm.s32 $0x10260;
	[sflag:s15] =	ssyncadd.s32 $0xFFFFE700  }
0x1a: {  	v18 =	vld [tilespmem:s1+$0x0]  }
0x1b: {  	s7 =	simm.s32 $0x40;
	s0 =	simm.s32 $0x0;
	v19 =	vld [tilespmem:s1+$0x10]  }
.LBB2_2:
0x1c: {  	p0 =	sne.s32 s7, $0x18C0;
	v20 =	vld [tilespmem:s1+$0xFFFFFFF0]  }
0x1d: {  	v21 =	vld [tilespmem:s1+$0xFFFFFFE0];
	_ =	sdelay $0x2  }
0x1e: {  	v18 =	vsel vm0, v18, v19  }
0x1f: {  	v18 =	vsel vm1, v20, v18  }
0x20: {  	v18 =	vsel vm2, v21, v18  }
0x21: {  	v19 =	vshrl.u32 v18, $0xC;
	v18 =	vshll.u32 v18, $0x6  }
0x22: {  	v19 =	vand.u32 $0x1, v19;
	v18 =	vand.u32 $0x3FFC0, v18  }
0x23: {  	v20 =	vperm.xlane v19, v1;
	vm3 =	veq.s32 v19, $0x0  }
0x24: {  	s8 =	sshra.s32 s0, $0x2;
	s0 =	smov.u32 s7;
	v18 =	vsel vm3, $0xFA00, v18  }
0x25: {  	v19 =	vadd.s32 v20, v19;
	[tilespmem:s8+$0x11B40] =	vst v18  }
0x26: {  	v18 =	vperm.xlane v19, v3;
	_ =	sdelay $0x1  }
0x27: {  	v18 =	vadd.s32 v18, v19  }
0x28: {  	v18 =	vcvt.s32.f32 v18;
	_ =	sdelay $0x1  }
0x29: {  	(erf) = vrcp.f32 v18;
	_ =	sdelay $0x7  }
.Ltmp0:
0x2a: {  	(pc) =	sbr.rel @p0 .LBB2_2-.Ltmp0, $4  }
0x2b: {  	v18 =	vpop (erf)  }
0x2c: {  	s1 =	sadd.s32 $0x40, s1;
	[tilespmem:s8+$0x13450] =	vst v18  }
0x2d: {  	v18 =	vld [tilespmem:s1+$0x0]  }
0x2e: {  	s7 =	sadd.s32 $0x40, s7;
	v19 =	vld [tilespmem:s1+$0x10]  }
0x2f: {  	v20 =	vld [tilespmem:s1+$0xFFFFFFF0]  }
0x30: {  	v21 =	vld [tilespmem:s1+$0xFFFFFFE0];
	_ =	sdelay $0x2  }
0x31: {  	v18 =	vsel vm0, v18, v19  }
0x32: {  	v18 =	vsel vm1, v20, v18  }
0x33: {  	v18 =	vsel vm2, v21, v18  }
0x34: {  	v19 =	vshrl.u32 v18, $0xC  }
0x35: {  	v19 =	vand.u32 $0x1, v19  }
0x36: {  	v20 =	vperm.xlane v19, v1;
	_ =	sdelay $0x1  }
0x37: {  	v20 =	vadd.s32 v20, v19  }
0x38: {  	v63 =	vperm.xlane v20, v3;
	_ =	sdelay $0x1  }
0x39: {  	v20 =	vadd.s32 v63, v20  }
0x3a: {  	v20 =	vcvt.s32.f32 v20;
	_ =	sdelay $0x1  }
0x3b: {  	(erf) = vrcp.f32 v20;
	_ =	sdelay $0x3  }
0x3c: {  	v18 =	vshll.u32 v18, $0x6  }
0x3d: {  	v18 =	vand.u32 $0x3FFC0, v18;
	vm3 =	veq.s32 v19, $0x0  }
0x3e: {  	v18 =	vsel vm3, $0xFA00, v18;
	_ =	sdelay $0x1  }
0x3f: {  	s0 =	sshra.s32 s0, $0x2  }
0x40: {  	[tilespmem:s0+$0x11B40] =	vst v18;
	v18 =	vpop (erf)  }
0x41: {  	s31 =	simm.s32 $0xFD90;
	[tilespmem:s0+$0x13450] =	vst v18  }
0x42: {  	[tilespmem:s14], [sflag:$0x2] =	stream.indirect.gather [hbm4b:s6+s13], $0x10, s31, s13, $0xb8;
	[tilespmem:$0x1AD60] =	vst v63  }
0x43: {  	_ =	swait.ge [sflag:s15], $0x1900  }
0x44: {  	[sflag:s15] =	ssyncset.done $0x0  }
0x45: {  	s1 =	simm.s32 $0x10260;
	[sflag:s15] =	ssyncadd.s32 $0xFFFFE700  }
0x46: {  	v18 =	vld [tilespmem:s1+$0x0]  }
0x47: {  	s7 =	simm.s32 $0x40;
	s0 =	simm.s32 $0x0;
	v19 =	vld [tilespmem:s1+$0x10]  }
.LBB2_4:
0x48: {  	p0 =	sne.s32 s7, $0x18C0;
	v20 =	vld [tilespmem:s1+$0xFFFFFFF0]  }
0x49: {  	v21 =	vld [tilespmem:s1+$0xFFFFFFE0];
	_ =	sdelay $0x2  }
0x4a: {  	v18 =	vsel vm0, v18, v19  }
0x4b: {  	v18 =	vsel vm1, v20, v18  }
0x4c: {  	v18 =	vsel vm2, v21, v18  }
0x4d: {  	v19 =	vshrl.u32 v18, $0xC;
	v18 =	vshll.u32 v18, $0x6  }
0x4e: {  	v19 =	vand.u32 $0x1, v19;
	v18 =	vand.u32 $0x3FFC0, v18  }
0x4f: {  	v20 =	vperm.xlane v19, v1;
	vm3 =	veq.s32 v19, $0x0  }
0x50: {  	s8 =	sshra.s32 s0, $0x2;
	s0 =	smov.u32 s7;
	v18 =	vsel vm3, $0xFA00, v18  }
0x51: {  	v19 =	vadd.s32 v20, v19;
	[tilespmem:s8+$0x12180] =	vst v18  }
0x52: {  	v18 =	vperm.xlane v19, v3;
	_ =	sdelay $0x1  }
0x53: {  	v18 =	vadd.s32 v18, v19  }
0x54: {  	v18 =	vcvt.s32.f32 v18;
	_ =	sdelay $0x1  }
0x55: {  	(erf) = vrcp.f32 v18;
	_ =	sdelay $0x7  }
.Ltmp1:
0x56: {  	(pc) =	sbr.rel @p0 .LBB2_4-.Ltmp1, $4  }
0x57: {  	v18 =	vpop (erf)  }
0x58: {  	s1 =	sadd.s32 $0x40, s1;
	[tilespmem:s8+$0x13A90] =	vst v18  }
0x59: {  	v18 =	vld [tilespmem:s1+$0x0]  }
0x5a: {  	s7 =	sadd.s32 $0x40, s7;
	v19 =	vld [tilespmem:s1+$0x10]  }
0x5b: {  	v20 =	vld [tilespmem:s1+$0xFFFFFFF0]  }
0x5c: {  	v21 =	vld [tilespmem:s1+$0xFFFFFFE0];
	_ =	sdelay $0x2  }
0x5d: {  	v18 =	vsel vm0, v18, v19  }
0x5e: {  	v18 =	vsel vm1, v20, v18  }
0x5f: {  	v18 =	vsel vm2, v21, v18  }
0x60: {  	v19 =	vshrl.u32 v18, $0xC  }
0x61: {  	v19 =	vand.u32 $0x1, v19  }
0x62: {  	v20 =	vperm.xlane v19, v1;
	_ =	sdelay $0x1  }
0x63: {  	v20 =	vadd.s32 v20, v19  }
0x64: {  	v63 =	vperm.xlane v20, v3;
	_ =	sdelay $0x1  }
0x65: {  	v20 =	vadd.s32 v63, v20  }
0x66: {  	v20 =	vcvt.s32.f32 v20;
	_ =	sdelay $0x1  }
0x67: {  	(erf) = vrcp.f32 v20;
	_ =	sdelay $0x3  }
0x68: {  	v18 =	vshll.u32 v18, $0x6  }
0x69: {  	v18 =	vand.u32 $0x3FFC0, v18;
	vm3 =	veq.s32 v19, $0x0  }
0x6a: {  	v18 =	vsel vm3, $0xFA00, v18;
	_ =	sdelay $0x1  }
0x6b: {  	s0 =	sshra.s32 s0, $0x2  }
0x6c: {  	[tilespmem:s0+$0x12180] =	vst v18;
	v18 =	vpop (erf)  }
0x6d: {  	s31 =	simm.s32 $0xFF20;
	[tilespmem:s0+$0x13A90] =	vst v18  }
0x6e: {  	[tilespmem:s14], [sflag:$0x2] =	stream.indirect.gather [hbm4b:s6+s13], $0x10, s31, s13, $0xb8;
	[tilespmem:$0x1AD60] =	vst v63  }
0x6f: {  	_ =	swait.ge [sflag:s15], $0x1900  }
0x70: {  	[sflag:s15] =	ssyncset.done $0x0  }
0x71: {  	s1 =	simm.s32 $0x10260;
	[sflag:s15] =	ssyncadd.s32 $0xFFFFE700  }
0x72: {  	v18 =	vld [tilespmem:s1+$0x0]  }
0x73: {  	s7 =	simm.s32 $0x40;
	s0 =	simm.s32 $0x0;
	v19 =	vld [tilespmem:s1+$0x10]  }
.LBB2_6:
0x74: {  	p0 =	sne.s32 s7, $0x18C0;
	v20 =	vld [tilespmem:s1+$0xFFFFFFF0]  }
0x75: {  	v21 =	vld [tilespmem:s1+$0xFFFFFFE0];
	_ =	sdelay $0x2  }
0x76: {  	v18 =	vsel vm0, v18, v19  }
0x77: {  	v18 =	vsel vm1, v20, v18  }
0x78: {  	v18 =	vsel vm2, v21, v18  }
0x79: {  	v19 =	vshrl.u32 v18, $0xC;
	v18 =	vshll.u32 v18, $0x6  }
0x7a: {  	v19 =	vand.u32 $0x1, v19;
	v18 =	vand.u32 $0x3FFC0, v18  }
0x7b: {  	v20 =	vperm.xlane v19, v1;
	vm3 =	veq.s32 v19, $0x0  }
0x7c: {  	s8 =	sshra.s32 s0, $0x2;
	s0 =	smov.u32 s7;
	v18 =	vsel vm3, $0xFA00, v18  }
0x7d: {  	v19 =	vadd.s32 v20, v19;
	[tilespmem:s8+$0x127C0] =	vst v18  }
0x7e: {  	v18 =	vperm.xlane v19, v3;
	_ =	sdelay $0x1  }
0x7f: {  	v18 =	vadd.s32 v18, v19  }
0x80: {  	v18 =	vcvt.s32.f32 v18;
	_ =	sdelay $0x1  }
0x81: {  	(erf) = vrcp.f32 v18;
	_ =	sdelay $0x7  }
.Ltmp2:
0x82: {  	(pc) =	sbr.rel @p0 .LBB2_6-.Ltmp2, $4  }
0x83: {  	v18 =	vpop (erf)  }
0x84: {  	s1 =	sadd.s32 $0x40, s1;
	[tilespmem:s8+$0x140D0] =	vst v18  }
0x85: {  	v18 =	vld [tilespmem:s1+$0x0]  }
0x86: {  	s7 =	sadd.s32 $0x40, s7;
	v19 =	vld [tilespmem:s1+$0x10]  }
0x87: {  	v20 =	vld [tilespmem:s1+$0xFFFFFFF0]  }
0x88: {  	v21 =	vld [tilespmem:s1+$0xFFFFFFE0];
	_ =	sdelay $0x2  }
0x89: {  	v18 =	vsel vm0, v18, v19  }
0x8a: {  	v18 =	vsel vm1, v20, v18  }
0x8b: {  	v18 =	vsel vm2, v21, v18  }
0x8c: {  	v19 =	vshrl.u32 v18, $0xC  }
0x8d: {  	v19 =	vand.u32 $0x1, v19  }
0x8e: {  	v20 =	vperm.xlane v19, v1;
	_ =	sdelay $0x1  }
0x8f: {  	v20 =	vadd.s32 v20, v19  }
0x90: {  	v63 =	vperm.xlane v20, v3;
	_ =	sdelay $0x1  }
0x91: {  	v20 =	vadd.s32 v63, v20  }
0x92: {  	v20 =	vcvt.s32.f32 v20;
	_ =	sdelay $0x1  }
0x93: {  	(erf) = vrcp.f32 v20;
	_ =	sdelay $0x3  }
0x94: {  	v18 =	vshll.u32 v18, $0x6  }
0x95: {  	v18 =	vand.u32 $0x3FFC0, v18;
	vm3 =	veq.s32 v19, $0x0  }
0x96: {  	v18 =	vsel vm3, $0xFA00, v18;
	_ =	sdelay $0x1  }
0x97: {  	s0 =	sshra.s32 s0, $0x2  }
0x98: {  	[tilespmem:s0+$0x127C0] =	vst v18;
	v18 =	vpop (erf)  }
0x99: {  	s31 =	simm.s32 $0x100B0;
	[tilespmem:s0+$0x140D0] =	vst v18  }
0x9a: {  	[tilespmem:s14], [sflag:$0x2] =	stream.indirect.gather [hbm4b:s6+s13], $0x10, s31, s13, $0xb8;
	[tilespmem:$0x1AD60] =	vst v63  }
0x9b: {  	_ =	swait.ge [sflag:s15], $0x1900  }
0x9c: {  	[sflag:s15] =	ssyncset.done $0x0  }
0x9d: {  	s1 =	simm.s32 $0x10260;
	[sflag:s15] =	ssyncadd.s32 $0xFFFFE700  }
0x9e: {  	v18 =	vld [tilespmem:s1+$0x0]  }
0x9f: {  	s7 =	simm.s32 $0x40;
	s0 =	simm.s32 $0x0;
	v19 =	vld [tilespmem:s1+$0x10]  }
.LBB2_8:
0xa0: {  	p0 =	sne.s32 s7, $0x18C0;
	v20 =	vld [tilespmem:s1+$0xFFFFFFF0]  }
0xa1: {  	v21 =	vld [tilespmem:s1+$0xFFFFFFE0];
	_ =	sdelay $0x2  }
0xa2: {  	v18 =	vsel vm0, v18, v19  }
0xa3: {  	v18 =	vsel vm1, v20, v18  }
0xa4: {  	v18 =	vsel vm2, v21, v18  }
0xa5: {  	v19 =	vshrl.u32 v18, $0xC;
	v18 =	vshll.u32 v18, $0x6  }
0xa6: {  	v19 =	vand.u32 $0x1, v19;
	v18 =	vand.u32 $0x3FFC0, v18  }
0xa7: {  	v20 =	vperm.xlane v19, v1;
	vm3 =	veq.s32 v19, $0x0  }
0xa8: {  	s8 =	sshra.s32 s0, $0x2;
	s0 =	smov.u32 s7;
	v18 =	vsel vm3, $0xFA00, v18  }
0xa9: {  	v19 =	vadd.s32 v20, v19;
	[tilespmem:s8+$0x12E00] =	vst v18  }
0xaa: {  	v18 =	vperm.xlane v19, v3;
	_ =	sdelay $0x1  }
0xab: {  	v18 =	vadd.s32 v18, v19  }
0xac: {  	v18 =	vcvt.s32.f32 v18;
	_ =	sdelay $0x1  }
0xad: {  	(erf) = vrcp.f32 v18;
	_ =	sdelay $0x7  }
.Ltmp3:
0xae: {  	(pc) =	sbr.rel @p0 .LBB2_8-.Ltmp3, $4  }
0xaf: {  	v18 =	vpop (erf)  }
0xb0: {  	s1 =	sadd.s32 $0x40, s1;
	[tilespmem:s8+$0x14710] =	vst v18  }
0xb1: {  	v18 =	vld [tilespmem:s1+$0x0]  }
0xb2: {  	s7 =	sadd.s32 $0x40, s7;
	v19 =	vld [tilespmem:s1+$0x10]  }
0xb3: {  	v20 =	vld [tilespmem:s1+$0xFFFFFFF0]  }
0xb4: {  	v21 =	vld [tilespmem:s1+$0xFFFFFFE0];
	_ =	sdelay $0x2  }
0xb5: {  	v18 =	vsel vm0, v18, v19  }
0xb6: {  	v18 =	vsel vm1, v20, v18  }
0xb7: {  	v18 =	vsel vm2, v21, v18  }
0xb8: {  	v19 =	vshrl.u32 v18, $0xC  }
0xb9: {  	v19 =	vand.u32 $0x1, v19  }
0xba: {  	v62 =	vperm.xlane v19, v1;
	_ =	sdelay $0x1  }
0xbb: {  	v20 =	vadd.s32 v62, v19  }
0xbc: {  	v63 =	vperm.xlane v20, v3;
	_ =	sdelay $0x1  }
0xbd: {  	v20 =	vadd.s32 v63, v20  }
0xbe: {  	v20 =	vcvt.s32.f32 v20;
	_ =	sdelay $0x1  }
0xbf: {  	(erf) = vrcp.f32 v20;
	_ =	sdelay $0x3  }
0xc0: {  	v18 =	vshll.u32 v18, $0x6  }
0xc1: {  	v18 =	vand.u32 $0x3FFC0, v18;
	vm3 =	veq.s32 v19, $0x0  }
0xc2: {  	v18 =	vsel vm3, $0xFA00, v18;
	_ =	sdelay $0x1  }
0xc3: {  	s0 =	sshra.s32 s0, $0x2  }
0xc4: {  	[tilespmem:s0+$0x12E00] =	vst v18;
	v18 =	vpop (erf)  }
0xc5: {  	[tilespmem:s0+$0x14710] =	vst v18  }
0xc6: {  	_ =	swait.ge [sflag:s19], $0xFC00  }
0xc7: {  	s21 =	simm.s32 $0x14D60;
	[sflag:s19] =	ssyncset.done $0x0  }
0xc8: {  	s31 =	simm.s32 $0x0;
	s8 =	simm.s32 $0x11B40;
	[sflag:s19] =	ssyncadd.s32 $0xFFFF0400  }
0xc9: {  	[tilespmem:s21], [sflag:$0x3] =	stream.indirect.gather [hbm4b:s2+s20], $0x80, s10, s20, $0xb8;
	[tilespmem:$0x1AD60] =	vst v63  }
0xca: {  	s16 =	simm.s32 $0x11BC0;
	s17 =	simm.s32 $0x134D0;
	s10 =	simm.s32 $0x13450  }
.LBB2_10:
0xcb: {  	p0 =	seq.s32 s31, $0x0  }
0xcc: {  	s0 =	simm.s32 @!p0 $0x6  }
0xcd: {  	_ =	swait.ge @!p0 [sflag:s0], $0x2000  }
0xce: {  	s1 =	sshll.u32 s31, $0x6;
	[sflag:s0] =	ssyncset.done @!p0 $0x0  }
0xcf: {  	s18 =	sadd.s32 $0xFC20, s1;
	[sflag:s0] =	ssyncadd.s32 @!p0 $0xFFFFE000  }
0xd0: {  	[tilespmem:s22], [sflag:$0x4] =	stream.indirect.gather [hbm4b:s2+s20], $0x80, s18, s20, $0xb8;
	[tilespmem:$0x1AD60] =	vst v63  }
0xd1: {  	_ =	swait.ge [sflag:s23], $0x1000  }
0xd2: {  	[sflag:s23] =	ssyncset.done $0x0  }
0xd3: {  	s21 =	simm.s32 $0x0;
	[sflag:s23] =	ssyncadd.s32 $0xFFFFF000  }
0xd4: {  	v18 =	vld [tilespmem:s21+$0x14D60];
	_ =	sdelay $0x3  }
0xd5: {  	s0 =	simm.s32 $0x16E50  }
0xd6: {  	[tilespmem:s0+$0xFFFFFF90] =	vst v18  }
0xd7: {  	v18 =	vld [tilespmem:s21+$0x14D70];
	_ =	sdelay $0x4  }
0xd8: {  	[tilespmem:s0+$0xFFFFFFA0] =	vst v18  }
0xd9: {  	v18 =	vld [tilespmem:s21+$0x14D80];
	_ =	sdelay $0x4  }
0xda: {  	[tilespmem:s0+$0xFFFFFFB0] =	vst v18  }
0xdb: {  	v18 =	vld [tilespmem:s21+$0x14D90];
	_ =	sdelay $0x4  }
0xdc: {  	[tilespmem:s0+$0xFFFFFFC0] =	vst v18  }
0xdd: {  	v18 =	vld [tilespmem:s21+$0x14DA0];
	_ =	sdelay $0x4  }
0xde: {  	[tilespmem:s0+$0xFFFFFFD0] =	vst v18  }
0xdf: {  	v18 =	vld [tilespmem:s21+$0x14DB0];
	_ =	sdelay $0x4  }
0xe0: {  	[tilespmem:s0+$0xFFFFFFE0] =	vst v18  }
0xe1: {  	v18 =	vld [tilespmem:s21+$0x14DC0];
	_ =	sdelay $0x4  }
0xe2: {  	[tilespmem:s0+$0xFFFFFFF0] =	vst v18  }
0xe3: {  	v18 =	vld [tilespmem:s21+$0x14DD0];
	_ =	sdelay $0x4  }
0xe4: {  	s7 =	simm.s32 $0x400;
	s18 =	sor.u32 $0x20, s1;
	s1 =	simm.s32 $0x80;
	[tilespmem:s0+$0x0] =	vst v18  }
.LBB2_11:
0xe5: {  	p0 =	seq.s32 s7, $0x3E00;
	v18 =	vld [tilespmem:s1+$0x14D60];
	_ =	sdelay $0x3  }
0xe6: {  	s0 =	sadd.s32 $0x100, s0  }
0xe7: {  	[tilespmem:s0+$0xFFFFFF90] =	vst v18  }
0xe8: {  	v18 =	vld [tilespmem:s1+$0x14D70];
	_ =	sdelay $0x4  }
0xe9: {  	[tilespmem:s0+$0xFFFFFFA0] =	vst v18  }
0xea: {  	v18 =	vld [tilespmem:s1+$0x14D80];
	_ =	sdelay $0x4  }
0xeb: {  	[tilespmem:s0+$0xFFFFFFB0] =	vst v18  }
0xec: {  	v18 =	vld [tilespmem:s1+$0x14D90];
	_ =	sdelay $0x4  }
0xed: {  	[tilespmem:s0+$0xFFFFFFC0] =	vst v18  }
0xee: {  	v18 =	vld [tilespmem:s1+$0x14DA0];
	_ =	sdelay $0x4  }
0xef: {  	[tilespmem:s0+$0xFFFFFFD0] =	vst v18  }
0xf0: {  	v18 =	vld [tilespmem:s1+$0x14DB0];
	_ =	sdelay $0x4  }
0xf1: {  	[tilespmem:s0+$0xFFFFFFE0] =	vst v18  }
0xf2: {  	v18 =	vld [tilespmem:s1+$0x14DC0];
	_ =	sdelay $0x4  }
0xf3: {  	[tilespmem:s0+$0xFFFFFFF0] =	vst v18  }
0xf4: {  	v18 =	vld [tilespmem:s1+$0x14DD0]  }
.Ltmp4:
0xf5: {  	(pc) =	sbr.rel @!p0 .LBB2_11-.Ltmp4, $2  }
0xf6: {  	_ =	sdelay $0x2  }
0xf7: {  	s1 =	sshra.s32 s7, $0x2;
	s7 =	sadd.s32 $0x200, s7;
	[tilespmem:s0+$0x0] =	vst v18  }
0xf8: {  	v18 =	vld [tilespmem:s1+$0x14D60];
	_ =	sdelay $0x3  }
0xf9: {  	s0 =	sadd.s32 $0x100, s0  }
0xfa: {  	[tilespmem:s0+$0xFFFFFF90] =	vst v18  }
0xfb: {  	v18 =	vld [tilespmem:s1+$0x14D70];
	_ =	sdelay $0x4  }
0xfc: {  	[tilespmem:s0+$0xFFFFFFA0] =	vst v18  }
0xfd: {  	v18 =	vld [tilespmem:s1+$0x14D80];
	_ =	sdelay $0x4  }
0xfe: {  	[tilespmem:s0+$0xFFFFFFB0] =	vst v18  }
0xff: {  	v18 =	vld [tilespmem:s1+$0x14D90];
	_ =	sdelay $0x4  }
0x100: {  	[tilespmem:s0+$0xFFFFFFC0] =	vst v18  }
0x101: {  	v18 =	vld [tilespmem:s1+$0x14DA0];
	_ =	sdelay $0x4  }
0x102: {  	[tilespmem:s0+$0xFFFFFFD0] =	vst v18  }
0x103: {  	v18 =	vld [tilespmem:s1+$0x14DB0];
	_ =	sdelay $0x4  }
0x104: {  	[tilespmem:s0+$0xFFFFFFE0] =	vst v18  }
0x105: {  	v18 =	vld [tilespmem:s1+$0x14DC0];
	_ =	sdelay $0x4  }
0x106: {  	[tilespmem:s0+$0xFFFFFFF0] =	vst v18  }
0x107: {  	v18 =	vld [tilespmem:s1+$0x14DD0];
	_ =	sdelay $0x4  }
0x108: {  	[tilespmem:s0+$0x0] =	vst v18  }
0x109: {  	v18 =	vld [tilespmem:s8+$0x0];
	_ =	sdelay $0x4  }
0x10a: {  	v19 =	vperm.xlane v18, v4  }
0x10b: {  	v20 =	vperm.xlane v18, v5  }
0x10c: {  	v21 =	vadd.s32 v0, v19  }
0x10d: {  	v22 =	vperm.xlane v18, v6;
	v23 =	vadd.s32 v0, v20;
	_ =	sdelay $0x1  }
0x10e: {  	v24 =	vperm.xlane v18, v7;
	v18 =	vadd.s32 v0, v22;
	_ =	sdelay $0x1  }
0x10f: {  	v25 =	vadd.s32 v0, v24;
	v21 =	vld.idx.msk [tilespmem:v21+s4+$0x0], $0xffff  }
0x110: {  	v23 =	vld.idx.msk [tilespmem:v23+s4+$0x0], $0xffff;
	_ =	sdelay $0x1  }
0x111: {  	v18 =	vld.idx.msk [tilespmem:v18+s4+$0x0], $0xffff  }
0x112: {  	v26 =	vld [tilespmem:s10+$0x0]  }
0x113: {  	v25 =	vld.idx.msk [tilespmem:v25+s4+$0x0], $0xffff  }
0x114: {  	v21 =	vadd.bf16 v23, v21;
	_ =	sdelay $0x1  }
0x115: {  	v18 =	vadd.bf16 v18, v21  }
0x116: {  	s11 =	simm.s32 $0x0;
	v21 =	vperm.xlane v26, v4  }
0x117: {  	v52 =	vor.u32 s11, v2;
	v23 =	vadd.bf16 v25, v18  }
0x118: {  	v18 =	vpack.i.f32.bf16 v21, v21;
	v21 =	vor.u32 s11, v8  }
0x119: {  	v53 =	vadd.s32 v9, v19;
	v23 =	vmul.bf16 v23, v18  }
0x11a: {  	v27 =	vadd.s32 v9, v20  }
0x11b: {  	v28 =	vunpack.i.l.bf16.f32 v23  }
0x11c: {  	v54 =	vadd.s32 v9, v22;
	v23 =	vunpack.i.u.bf16.f32 v23;
	[tilespmem:v52+s24+$0x0] =	vst.idx.msk $0xffff, v28  }
0x11d: {  	[tilespmem:v21+s24+$0x0] =	vst.idx.msk $0xffff, v23  }
0x11e: {  	v23 =	vadd.s32 v9, v24;
	v21 =	vld.idx.msk [tilespmem:v53+s4+$0x0], $0xffff  }
0x11f: {  	v55 =	vld.idx.msk [tilespmem:v27+s4+$0x0], $0xffff;
	_ =	sdelay $0x1  }
0x120: {  	v25 =	vld.idx.msk [tilespmem:v54+s4+$0x0], $0xffff;
	_ =	sdelay $0x1  }
0x121: {  	v23 =	vld.idx.msk [tilespmem:v23+s4+$0x0], $0xffff  }
0x122: {  	v21 =	vadd.bf16 v55, v21;
	_ =	sdelay $0x1  }
0x123: {  	v21 =	vadd.bf16 v25, v21;
	_ =	sdelay $0x1  }
0x124: {  	v21 =	vadd.bf16 v23, v21;
	v23 =	vor.u32 s11, v10  }
0x125: {  	v56 =	vor.u32 s11, v11  }
0x126: {  	v57 =	vadd.s32 v12, v19;
	v21 =	vmul.bf16 v21, v18  }
0x127: {  	v58 =	vadd.s32 v12, v20  }
0x128: {  	v59 =	vunpack.i.l.bf16.f32 v21  }
0x129: {  	v21 =	vunpack.i.u.bf16.f32 v21;
	[tilespmem:v23+s24+$0x0] =	vst.idx.msk $0xffff, v59;
	v23 =	vadd.s32 v12, v22  }
0x12a: {  	[tilespmem:v56+s24+$0x0] =	vst.idx.msk $0xffff, v21  }
0x12b: {  	v60 =	vadd.s32 v12, v24;
	v21 =	vld.idx.msk [tilespmem:v57+s4+$0x0], $0xffff  }
0x12c: {  	v61 =	vld.idx.msk [tilespmem:v58+s4+$0x0], $0xffff;
	_ =	sdelay $0x1  }
0x12d: {  	v23 =	vld.idx.msk [tilespmem:v23+s4+$0x0], $0xffff;
	_ =	sdelay $0x1  }
0x12e: {  	v25 =	vld.idx.msk [tilespmem:v60+s4+$0x0], $0xffff  }
0x12f: {  	v21 =	vadd.bf16 v61, v21;
	_ =	sdelay $0x1  }
0x130: {  	v21 =	vadd.bf16 v23, v21;
	_ =	sdelay $0x1  }
0x131: {  	v23 =	vor.u32 s11, v13;
	v21 =	vadd.bf16 v25, v21  }
0x132: {  	v62 =	vor.u32 s11, v14  }
0x133: {  	v19 =	vadd.s32 v15, v19;
	v21 =	vmul.bf16 v21, v18  }
0x134: {  	v20 =	vadd.s32 v15, v20  }
0x135: {  	v63 =	vunpack.i.l.bf16.f32 v21  }
0x136: {  	v22 =	vadd.s32 v15, v22;
	v21 =	vunpack.i.u.bf16.f32 v21;
	[tilespmem:v23+s24+$0x0] =	vst.idx.msk $0xffff, v63  }
0x137: {  	[tilespmem:v62+s24+$0x0] =	vst.idx.msk $0xffff, v21  }
0x138: {  	v21 =	vadd.s32 v15, v24;
	v19 =	vld.idx.msk [tilespmem:v19+s4+$0x0], $0xffff  }
0x139: {  	v20 =	vld.idx.msk [tilespmem:v20+s4+$0x0], $0xffff;
	_ =	sdelay $0x1  }
0x13a: {  	v22 =	vld.idx.msk [tilespmem:v22+s4+$0x0], $0xffff;
	_ =	sdelay $0x1  }
0x13b: {  	v21 =	vld.idx.msk [tilespmem:v21+s4+$0x0], $0xffff  }
0x13c: {  	v19 =	vadd.bf16 v20, v19;
	_ =	sdelay $0x1  }
0x13d: {  	v20 =	vadd.bf16 v22, v19  }
0x13e: {  	s21 =	sshll.u32 s31, $0x8  }
0x13f: {  	s7 =	simm.s32 $0x1;
	s1 =	smov.u32 s8;
	s0 =	smov.u32 s10;
	v19 =	vor.u32 s11, v16;
	v21 =	vadd.bf16 v21, v20;
	v20 =	vor.u32 s11, v17  }
.LBB2_13:
0x140: {  	p0 =	sne.s32 s7, $0x1F;
	s1 =	sadd.s32 $0x4, s1;
	s0 =	sadd.s32 $0x4, s0  }
0x141: {  	s11 =	smov.u32 s7;
	s7 =	sadd.s32 $0x1, s7;
	v18 =	vmul.bf16 v21, v18;
	_ =	sdelay $0x1  }
0x142: {  	v21 =	vunpack.i.u.bf16.f32 v18;
	v18 =	vunpack.i.l.bf16.f32 v18  }
0x143: {  	[tilespmem:v19+s24+$0x0] =	vst.idx.msk $0xffff, v18  }
0x144: {  	[tilespmem:v20+s24+$0x0] =	vst.idx.msk $0xffff, v21  }
0x145: {  	v18 =	vld [tilespmem:s1+$0x0];
	_ =	sdelay $0x4  }
0x146: {  	v19 =	vperm.xlane v18, v4;
	v20 =	vperm.xlane v18, v5  }
0x147: {  	v21 =	vperm.xlane v18, v6;
	v22 =	vperm.xlane v18, v7  }
0x148: {  	v18 =	vadd.s32 v0, v19;
	v23 =	vadd.s32 v0, v20  }
0x149: {  	v24 =	vadd.s32 v0, v21;
	v25 =	vadd.s32 v0, v22;
	_ =	sdelay $0x3  }
0x14a: {  	v18 =	vld.idx.msk [tilespmem:v18+s4+$0x0], $0xffff  }
0x14b: {  	v23 =	vld.idx.msk [tilespmem:v23+s4+$0x0], $0xffff;
	_ =	sdelay $0x1  }
0x14c: {  	v24 =	vld.idx.msk [tilespmem:v24+s4+$0x0], $0xffff  }
0x14d: {  	v26 =	vld [tilespmem:s0+$0x0]  }
0x14e: {  	v25 =	vld.idx.msk [tilespmem:v25+s4+$0x0], $0xffff;
	_ =	sdelay $0x1  }
0x14f: {  	v18 =	vadd.bf16 v23, v18;
	_ =	sdelay $0x1  }
0x150: {  	v18 =	vadd.bf16 v24, v18;
	v23 =	vperm.xlane v26, v4  }
0x151: {  	s11 =	sshll.u32 s11, $0x8  }
0x152: {  	v24 =	vadd.bf16 v25, v18;
	v25 =	vor.u32 s11, v2  }
0x153: {  	v18 =	vpack.i.f32.bf16 v23, v23;
	v23 =	vor.u32 s11, v8  }
0x154: {  	v26 =	vadd.s32 v9, v19;
	v24 =	vmul.bf16 v24, v18  }
0x155: {  	v27 =	vadd.s32 v9, v20  }
0x156: {  	v28 =	vunpack.i.l.bf16.f32 v24  }
0x157: {  	v24 =	vunpack.i.u.bf16.f32 v24;
	[tilespmem:v25+s24+$0x0] =	vst.idx.msk $0xffff, v28;
	v25 =	vadd.s32 v9, v21  }
0x158: {  	[tilespmem:v23+s24+$0x0] =	vst.idx.msk $0xffff, v24  }
0x159: {  	v24 =	vadd.s32 v9, v22;
	v23 =	vld.idx.msk [tilespmem:v26+s4+$0x0], $0xffff  }
0x15a: {  	v26 =	vld.idx.msk [tilespmem:v27+s4+$0x0], $0xffff;
	_ =	sdelay $0x1  }
0x15b: {  	v25 =	vld.idx.msk [tilespmem:v25+s4+$0x0], $0xffff;
	_ =	sdelay $0x1  }
0x15c: {  	v24 =	vld.idx.msk [tilespmem:v24+s4+$0x0], $0xffff;
	_ =	sdelay $0x1  }
0x15d: {  	v23 =	vadd.bf16 v26, v23;
	_ =	sdelay $0x1  }
0x15e: {  	v23 =	vadd.bf16 v25, v23;
	_ =	sdelay $0x1  }
0x15f: {  	v23 =	vadd.bf16 v24, v23;
	v24 =	vor.u32 s11, v10  }
0x160: {  	v25 =	vor.u32 s11, v11  }
0x161: {  	v26 =	vadd.s32 v12, v19;
	v23 =	vmul.bf16 v23, v18  }
0x162: {  	v27 =	vadd.s32 v12, v20  }
0x163: {  	v28 =	vunpack.i.l.bf16.f32 v23  }
0x164: {  	v23 =	vunpack.i.u.bf16.f32 v23;
	[tilespmem:v24+s24+$0x0] =	vst.idx.msk $0xffff, v28;
	v24 =	vadd.s32 v12, v21  }
0x165: {  	[tilespmem:v25+s24+$0x0] =	vst.idx.msk $0xffff, v23  }
0x166: {  	v25 =	vadd.s32 v12, v22;
	v23 =	vld.idx.msk [tilespmem:v26+s4+$0x0], $0xffff  }
0x167: {  	v26 =	vld.idx.msk [tilespmem:v27+s4+$0x0], $0xffff;
	_ =	sdelay $0x1  }
0x168: {  	v24 =	vld.idx.msk [tilespmem:v24+s4+$0x0], $0xffff;
	_ =	sdelay $0x1  }
0x169: {  	v25 =	vld.idx.msk [tilespmem:v25+s4+$0x0], $0xffff;
	_ =	sdelay $0x1  }
0x16a: {  	v23 =	vadd.bf16 v26, v23;
	_ =	sdelay $0x1  }
0x16b: {  	v23 =	vadd.bf16 v24, v23;
	_ =	sdelay $0x1  }
0x16c: {  	v24 =	vor.u32 s11, v13;
	v23 =	vadd.bf16 v25, v23  }
0x16d: {  	v25 =	vor.u32 s11, v14  }
0x16e: {  	v19 =	vadd.s32 v15, v19;
	v23 =	vmul.bf16 v23, v18  }
0x16f: {  	v20 =	vadd.s32 v15, v20  }
0x170: {  	v21 =	vadd.s32 v15, v21;
	v26 =	vunpack.i.l.bf16.f32 v23  }
0x171: {  	v22 =	vadd.s32 v15, v22;
	v23 =	vunpack.i.u.bf16.f32 v23;
	[tilespmem:v24+s24+$0x0] =	vst.idx.msk $0xffff, v26  }
0x172: {  	[tilespmem:v25+s24+$0x0] =	vst.idx.msk $0xffff, v23  }
0x173: {  	v19 =	vld.idx.msk [tilespmem:v19+s4+$0x0], $0xffff  }
0x174: {  	v20 =	vld.idx.msk [tilespmem:v20+s4+$0x0], $0xffff  }
0x175: {  	v21 =	vld.idx.msk [tilespmem:v21+s4+$0x0], $0xffff  }
0x176: {  	v22 =	vld.idx.msk [tilespmem:v22+s4+$0x0], $0xffff;
	_ =	sdelay $0x3  }
.Ltmp5:
0x177: {  	v19 =	vadd.bf16 v20, v19;
	(pc) =	sbr.rel @p0 .LBB2_13-.Ltmp5, $4  }
0x178: {  	_ = 	snop  }
0x179: {  	v20 =	vadd.bf16 v21, v19  }
0x17a: {  	v19 =	vor.u32 s11, v16  }
0x17b: {  	v21 =	vadd.bf16 v22, v20;
	v20 =	vor.u32 s11, v17  }
0x17c: {  	_ = 	snop  }
0x17d: {  	v18 =	vmul.bf16 v21, v18  }
0x17e: {  	s0 =	sshll.u32 s31, $0xE  }
0x17f: {  	s0 =	sadd.s32 s9, s0;
	v21 =	vunpack.i.l.bf16.f32 v18  }
0x180: {  	s0 =	sshrl.u32 s0, $0x3;
	v18 =	vunpack.i.u.bf16.f32 v18;
	[tilespmem:v19+s24+$0x0] =	vst.idx.msk $0xffff, v21  }
0x181: {  	s0 =	sadd.s32 s3, s0;
	[tilespmem:v20+s24+$0x0] =	vst.idx.msk $0xffff, v18  }
0x182: {  	[hbm4b:s0+s4] =	stream.linear.scatter [tilespmem:s24], [sflag:$0x5], $0x2000, $0x38;
	[tilespmem:$0x1AD60] =	vst v63  }
0x183: {  	p0 =	seq.s32 s31, $0x18;
	_ =	swait.ge [sflag:s25], $0x2000  }
0x184: {  	s1 =	simm.s32 @!p0 $0x20;
	s0 =	sshrl.u32 @!p0 s21, $0x2;
	[sflag:s25] =	ssyncset.done $0x0  }
0x185: {  	s7 =	simm.s32 @!p0 $0x14D60;
	s0 =	sadd.s32 @!p0 $0xFC40, s0;
	[sflag:s25] =	ssyncadd.s32 $0xFFFFE000  }
0x186: {  	[tilespmem:s7], [sflag:$0x3] =	stream.indirect.gather @!p0 [hbm4b:s2+s1], $0x80, s0, s1, $0xb8;
	[tilespmem:$0x1AD60] =	vst v63  }
0x187: {  	_ =	swait.ge [sflag:s26], $0x1000  }
0x188: {  	[sflag:s26] =	ssyncset.done $0x0  }
0x189: {  	s21 =	simm.s32 $0x0;
	[sflag:s26] =	ssyncadd.s32 $0xFFFFF000  }
0x18a: {  	v18 =	vld [tilespmem:s21+$0x15D60];
	_ =	sdelay $0x3  }
0x18b: {  	s0 =	simm.s32 $0x18E50  }
0x18c: {  	[tilespmem:s0+$0xFFFFFF90] =	vst v18  }
0x18d: {  	v18 =	vld [tilespmem:s21+$0x15D70];
	_ =	sdelay $0x4  }
0x18e: {  	[tilespmem:s0+$0xFFFFFFA0] =	vst v18  }
0x18f: {  	v18 =	vld [tilespmem:s21+$0x15D80];
	_ =	sdelay $0x4  }
0x190: {  	[tilespmem:s0+$0xFFFFFFB0] =	vst v18  }
0x191: {  	v18 =	vld [tilespmem:s21+$0x15D90];
	_ =	sdelay $0x4  }
0x192: {  	[tilespmem:s0+$0xFFFFFFC0] =	vst v18  }
0x193: {  	v18 =	vld [tilespmem:s21+$0x15DA0];
	_ =	sdelay $0x4  }
0x194: {  	[tilespmem:s0+$0xFFFFFFD0] =	vst v18  }
0x195: {  	v18 =	vld [tilespmem:s21+$0x15DB0];
	_ =	sdelay $0x4  }
0x196: {  	[tilespmem:s0+$0xFFFFFFE0] =	vst v18  }
0x197: {  	v18 =	vld [tilespmem:s21+$0x15DC0];
	_ =	sdelay $0x4  }
0x198: {  	[tilespmem:s0+$0xFFFFFFF0] =	vst v18  }
0x199: {  	v18 =	vld [tilespmem:s21+$0x15DD0];
	_ =	sdelay $0x4  }
0x19a: {  	s1 =	simm.s32 $0x80;
	s7 =	simm.s32 $0x400;
	[tilespmem:s0+$0x0] =	vst v18  }
.LBB2_15:
0x19b: {  	p0 =	sne.s32 s7, $0x3E00;
	v18 =	vld [tilespmem:s1+$0x15D60];
	_ =	sdelay $0x3  }
0x19c: {  	s0 =	sadd.s32 $0x100, s0  }
0x19d: {  	[tilespmem:s0+$0xFFFFFF90] =	vst v18  }
0x19e: {  	v18 =	vld [tilespmem:s1+$0x15D70];
	_ =	sdelay $0x4  }
0x19f: {  	[tilespmem:s0+$0xFFFFFFA0] =	vst v18  }
0x1a0: {  	v18 =	vld [tilespmem:s1+$0x15D80];
	_ =	sdelay $0x4  }
0x1a1: {  	[tilespmem:s0+$0xFFFFFFB0] =	vst v18  }
0x1a2: {  	v18 =	vld [tilespmem:s1+$0x15D90];
	_ =	sdelay $0x4  }
0x1a3: {  	[tilespmem:s0+$0xFFFFFFC0] =	vst v18  }
0x1a4: {  	v18 =	vld [tilespmem:s1+$0x15DA0];
	_ =	sdelay $0x4  }
0x1a5: {  	[tilespmem:s0+$0xFFFFFFD0] =	vst v18  }
0x1a6: {  	v18 =	vld [tilespmem:s1+$0x15DB0];
	_ =	sdelay $0x4  }
0x1a7: {  	[tilespmem:s0+$0xFFFFFFE0] =	vst v18  }
0x1a8: {  	v18 =	vld [tilespmem:s1+$0x15DC0];
	_ =	sdelay $0x4  }
0x1a9: {  	[tilespmem:s0+$0xFFFFFFF0] =	vst v18  }
0x1aa: {  	v18 =	vld [tilespmem:s1+$0x15DD0]  }
.Ltmp6:
0x1ab: {  	(pc) =	sbr.rel @p0 .LBB2_15-.Ltmp6, $2  }
0x1ac: {  	_ =	sdelay $0x2  }
0x1ad: {  	s1 =	sshra.s32 s7, $0x2;
	s7 =	sadd.s32 $0x200, s7;
	[tilespmem:s0+$0x0] =	vst v18  }
0x1ae: {  	v18 =	vld [tilespmem:s1+$0x15D60];
	_ =	sdelay $0x3  }
0x1af: {  	s0 =	sadd.s32 $0x100, s0  }
0x1b0: {  	[tilespmem:s0+$0xFFFFFF90] =	vst v18  }
0x1b1: {  	v18 =	vld [tilespmem:s1+$0x15D70];
	_ =	sdelay $0x4  }
0x1b2: {  	[tilespmem:s0+$0xFFFFFFA0] =	vst v18  }
0x1b3: {  	v18 =	vld [tilespmem:s1+$0x15D80];
	_ =	sdelay $0x4  }
0x1b4: {  	[tilespmem:s0+$0xFFFFFFB0] =	vst v18  }
0x1b5: {  	v18 =	vld [tilespmem:s1+$0x15D90];
	_ =	sdelay $0x4  }
0x1b6: {  	[tilespmem:s0+$0xFFFFFFC0] =	vst v18  }
0x1b7: {  	v18 =	vld [tilespmem:s1+$0x15DA0];
	_ =	sdelay $0x4  }
0x1b8: {  	[tilespmem:s0+$0xFFFFFFD0] =	vst v18  }
0x1b9: {  	v18 =	vld [tilespmem:s1+$0x15DB0];
	_ =	sdelay $0x4  }
0x1ba: {  	[tilespmem:s0+$0xFFFFFFE0] =	vst v18  }
0x1bb: {  	v18 =	vld [tilespmem:s1+$0x15DC0];
	_ =	sdelay $0x4  }
0x1bc: {  	[tilespmem:s0+$0xFFFFFFF0] =	vst v18  }
0x1bd: {  	v18 =	vld [tilespmem:s1+$0x15DD0];
	_ =	sdelay $0x4  }
0x1be: {  	[tilespmem:s0+$0x0] =	vst v18  }
0x1bf: {  	v18 =	vld [tilespmem:s16+$0x0];
	_ =	sdelay $0x4  }
0x1c0: {  	v19 =	vperm.xlane v18, v4  }
0x1c1: {  	v20 =	vperm.xlane v18, v5  }
0x1c2: {  	v21 =	vadd.s32 v0, v19  }
0x1c3: {  	v22 =	vperm.xlane v18, v6;
	v23 =	vadd.s32 v0, v20;
	_ =	sdelay $0x1  }
0x1c4: {  	v24 =	vperm.xlane v18, v7;
	v18 =	vadd.s32 v0, v22;
	_ =	sdelay $0x1  }
0x1c5: {  	v25 =	vadd.s32 v0, v24;
	v21 =	vld.idx.msk [tilespmem:v21+s4+$0x0], $0xffff  }
0x1c6: {  	v23 =	vld.idx.msk [tilespmem:v23+s4+$0x0], $0xffff;
	_ =	sdelay $0x1  }
0x1c7: {  	v18 =	vld.idx.msk [tilespmem:v18+s4+$0x0], $0xffff  }
0x1c8: {  	v26 =	vld [tilespmem:s17+$0x0]  }
0x1c9: {  	v25 =	vld.idx.msk [tilespmem:v25+s4+$0x0], $0xffff  }
0x1ca: {  	v21 =	vadd.bf16 v23, v21;
	_ =	sdelay $0x1  }
0x1cb: {  	v18 =	vadd.bf16 v18, v21  }
0x1cc: {  	s21 =	simm.s32 $0x0;
	v21 =	vperm.xlane v26, v4  }
0x1cd: {  	v52 =	vor.u32 s21, v2;
	v23 =	vadd.bf16 v25, v18  }
0x1ce: {  	v18 =	vpack.i.f32.bf16 v21, v21;
	v21 =	vor.u32 s21, v8  }
0x1cf: {  	v53 =	vadd.s32 v9, v19;
	v23 =	vmul.bf16 v23, v18  }
0x1d0: {  	v27 =	vadd.s32 v9, v20  }
0x1d1: {  	v28 =	vunpack.i.l.bf16.f32 v23  }
0x1d2: {  	v54 =	vadd.s32 v9, v22;
	v23 =	vunpack.i.u.bf16.f32 v23;
	[tilespmem:v52+s28+$0x0] =	vst.idx.msk $0xffff, v28  }
0x1d3: {  	[tilespmem:v21+s28+$0x0] =	vst.idx.msk $0xffff, v23  }
0x1d4: {  	v23 =	vadd.s32 v9, v24;
	v21 =	vld.idx.msk [tilespmem:v53+s4+$0x0], $0xffff  }
0x1d5: {  	v55 =	vld.idx.msk [tilespmem:v27+s4+$0x0], $0xffff;
	_ =	sdelay $0x1  }
0x1d6: {  	v25 =	vld.idx.msk [tilespmem:v54+s4+$0x0], $0xffff;
	_ =	sdelay $0x1  }
0x1d7: {  	v23 =	vld.idx.msk [tilespmem:v23+s4+$0x0], $0xffff  }
0x1d8: {  	v21 =	vadd.bf16 v55, v21;
	_ =	sdelay $0x1  }
0x1d9: {  	v21 =	vadd.bf16 v25, v21;
	_ =	sdelay $0x1  }
0x1da: {  	v21 =	vadd.bf16 v23, v21;
	v23 =	vor.u32 s21, v10  }
0x1db: {  	v56 =	vor.u32 s21, v11  }
0x1dc: {  	v57 =	vadd.s32 v12, v19;
	v21 =	vmul.bf16 v21, v18  }
0x1dd: {  	v58 =	vadd.s32 v12, v20  }
0x1de: {  	v59 =	vunpack.i.l.bf16.f32 v21  }
0x1df: {  	v21 =	vunpack.i.u.bf16.f32 v21;
	[tilespmem:v23+s28+$0x0] =	vst.idx.msk $0xffff, v59;
	v23 =	vadd.s32 v12, v22  }
0x1e0: {  	[tilespmem:v56+s28+$0x0] =	vst.idx.msk $0xffff, v21  }
0x1e1: {  	v60 =	vadd.s32 v12, v24;
	v21 =	vld.idx.msk [tilespmem:v57+s4+$0x0], $0xffff  }
0x1e2: {  	v61 =	vld.idx.msk [tilespmem:v58+s4+$0x0], $0xffff;
	_ =	sdelay $0x1  }
0x1e3: {  	v23 =	vld.idx.msk [tilespmem:v23+s4+$0x0], $0xffff;
	_ =	sdelay $0x1  }
0x1e4: {  	v25 =	vld.idx.msk [tilespmem:v60+s4+$0x0], $0xffff  }
0x1e5: {  	v21 =	vadd.bf16 v61, v21;
	_ =	sdelay $0x1  }
0x1e6: {  	v21 =	vadd.bf16 v23, v21;
	_ =	sdelay $0x1  }
0x1e7: {  	v23 =	vor.u32 s21, v13;
	v21 =	vadd.bf16 v25, v21  }
0x1e8: {  	v62 =	vor.u32 s21, v14  }
0x1e9: {  	v19 =	vadd.s32 v15, v19;
	v21 =	vmul.bf16 v21, v18  }
0x1ea: {  	v20 =	vadd.s32 v15, v20  }
0x1eb: {  	v63 =	vunpack.i.l.bf16.f32 v21  }
0x1ec: {  	v22 =	vadd.s32 v15, v22;
	v21 =	vunpack.i.u.bf16.f32 v21;
	[tilespmem:v23+s28+$0x0] =	vst.idx.msk $0xffff, v63  }
0x1ed: {  	[tilespmem:v62+s28+$0x0] =	vst.idx.msk $0xffff, v21  }
0x1ee: {  	v21 =	vadd.s32 v15, v24;
	v19 =	vld.idx.msk [tilespmem:v19+s4+$0x0], $0xffff  }
0x1ef: {  	v20 =	vld.idx.msk [tilespmem:v20+s4+$0x0], $0xffff;
	_ =	sdelay $0x1  }
0x1f0: {  	v22 =	vld.idx.msk [tilespmem:v22+s4+$0x0], $0xffff;
	_ =	sdelay $0x1  }
0x1f1: {  	v21 =	vld.idx.msk [tilespmem:v21+s4+$0x0], $0xffff  }
0x1f2: {  	v19 =	vadd.bf16 v20, v19;
	_ =	sdelay $0x1  }
0x1f3: {  	v20 =	vadd.bf16 v22, v19;
	_ =	sdelay $0x1  }
0x1f4: {  	s7 =	simm.s32 $0x1;
	s1 =	smov.u32 s16;
	s0 =	smov.u32 s17;
	v19 =	vor.u32 s21, v16;
	v21 =	vadd.bf16 v21, v20;
	v20 =	vor.u32 s21, v17  }
.LBB2_17:
0x1f5: {  	p0 =	sne.s32 s7, $0x1F;
	s1 =	sadd.s32 $0x4, s1;
	s0 =	sadd.s32 $0x4, s0  }
0x1f6: {  	s11 =	smov.u32 s7;
	s7 =	sadd.s32 $0x1, s7;
	v18 =	vmul.bf16 v21, v18;
	_ =	sdelay $0x1  }
0x1f7: {  	v21 =	vunpack.i.u.bf16.f32 v18;
	v18 =	vunpack.i.l.bf16.f32 v18  }
0x1f8: {  	[tilespmem:v19+s28+$0x0] =	vst.idx.msk $0xffff, v18  }
0x1f9: {  	[tilespmem:v20+s28+$0x0] =	vst.idx.msk $0xffff, v21  }
0x1fa: {  	v18 =	vld [tilespmem:s1+$0x0];
	_ =	sdelay $0x4  }
0x1fb: {  	v19 =	vperm.xlane v18, v4;
	v20 =	vperm.xlane v18, v5  }
0x1fc: {  	v21 =	vperm.xlane v18, v6;
	v22 =	vperm.xlane v18, v7  }
0x1fd: {  	v18 =	vadd.s32 v0, v19;
	v23 =	vadd.s32 v0, v20  }
0x1fe: {  	v24 =	vadd.s32 v0, v21;
	v25 =	vadd.s32 v0, v22;
	_ =	sdelay $0x3  }
0x1ff: {  	v18 =	vld.idx.msk [tilespmem:v18+s4+$0x0], $0xffff  }
0x200: {  	v23 =	vld.idx.msk [tilespmem:v23+s4+$0x0], $0xffff;
	_ =	sdelay $0x1  }
0x201: {  	v24 =	vld.idx.msk [tilespmem:v24+s4+$0x0], $0xffff  }
0x202: {  	v26 =	vld [tilespmem:s0+$0x0]  }
0x203: {  	v25 =	vld.idx.msk [tilespmem:v25+s4+$0x0], $0xffff;
	_ =	sdelay $0x1  }
0x204: {  	v18 =	vadd.bf16 v23, v18;
	_ =	sdelay $0x1  }
0x205: {  	v18 =	vadd.bf16 v24, v18;
	v23 =	vperm.xlane v26, v4  }
0x206: {  	s11 =	sshll.u32 s11, $0x8  }
0x207: {  	v24 =	vadd.bf16 v25, v18;
	v25 =	vor.u32 s11, v2  }
0x208: {  	v18 =	vpack.i.f32.bf16 v23, v23;
	v23 =	vor.u32 s11, v8  }
0x209: {  	v26 =	vadd.s32 v9, v19;
	v24 =	vmul.bf16 v24, v18  }
0x20a: {  	v27 =	vadd.s32 v9, v20  }
0x20b: {  	v28 =	vunpack.i.l.bf16.f32 v24  }
0x20c: {  	v24 =	vunpack.i.u.bf16.f32 v24;
	[tilespmem:v25+s28+$0x0] =	vst.idx.msk $0xffff, v28;
	v25 =	vadd.s32 v9, v21  }
0x20d: {  	[tilespmem:v23+s28+$0x0] =	vst.idx.msk $0xffff, v24  }
0x20e: {  	v24 =	vadd.s32 v9, v22;
	v23 =	vld.idx.msk [tilespmem:v26+s4+$0x0], $0xffff  }
0x20f: {  	v26 =	vld.idx.msk [tilespmem:v27+s4+$0x0], $0xffff;
	_ =	sdelay $0x1  }
0x210: {  	v25 =	vld.idx.msk [tilespmem:v25+s4+$0x0], $0xffff;
	_ =	sdelay $0x1  }
0x211: {  	v24 =	vld.idx.msk [tilespmem:v24+s4+$0x0], $0xffff;
	_ =	sdelay $0x1  }
0x212: {  	v23 =	vadd.bf16 v26, v23;
	_ =	sdelay $0x1  }
0x213: {  	v23 =	vadd.bf16 v25, v23;
	_ =	sdelay $0x1  }
0x214: {  	v23 =	vadd.bf16 v24, v23;
	v24 =	vor.u32 s11, v10  }
0x215: {  	v25 =	vor.u32 s11, v11  }
0x216: {  	v26 =	vadd.s32 v12, v19;
	v23 =	vmul.bf16 v23, v18  }
0x217: {  	v27 =	vadd.s32 v12, v20  }
0x218: {  	v28 =	vunpack.i.l.bf16.f32 v23  }
0x219: {  	v23 =	vunpack.i.u.bf16.f32 v23;
	[tilespmem:v24+s28+$0x0] =	vst.idx.msk $0xffff, v28;
	v24 =	vadd.s32 v12, v21  }
0x21a: {  	[tilespmem:v25+s28+$0x0] =	vst.idx.msk $0xffff, v23  }
0x21b: {  	v25 =	vadd.s32 v12, v22;
	v23 =	vld.idx.msk [tilespmem:v26+s4+$0x0], $0xffff  }
0x21c: {  	v26 =	vld.idx.msk [tilespmem:v27+s4+$0x0], $0xffff;
	_ =	sdelay $0x1  }
0x21d: {  	v24 =	vld.idx.msk [tilespmem:v24+s4+$0x0], $0xffff;
	_ =	sdelay $0x1  }
0x21e: {  	v25 =	vld.idx.msk [tilespmem:v25+s4+$0x0], $0xffff;
	_ =	sdelay $0x1  }
0x21f: {  	v23 =	vadd.bf16 v26, v23;
	_ =	sdelay $0x1  }
0x220: {  	v23 =	vadd.bf16 v24, v23;
	_ =	sdelay $0x1  }
0x221: {  	v24 =	vor.u32 s11, v13;
	v23 =	vadd.bf16 v25, v23  }
0x222: {  	v25 =	vor.u32 s11, v14  }
0x223: {  	v19 =	vadd.s32 v15, v19;
	v23 =	vmul.bf16 v23, v18  }
0x224: {  	v20 =	vadd.s32 v15, v20  }
0x225: {  	v21 =	vadd.s32 v15, v21;
	v26 =	vunpack.i.l.bf16.f32 v23  }
0x226: {  	v22 =	vadd.s32 v15, v22;
	v23 =	vunpack.i.u.bf16.f32 v23;
	[tilespmem:v24+s28+$0x0] =	vst.idx.msk $0xffff, v26  }
0x227: {  	[tilespmem:v25+s28+$0x0] =	vst.idx.msk $0xffff, v23  }
0x228: {  	v19 =	vld.idx.msk [tilespmem:v19+s4+$0x0], $0xffff  }
0x229: {  	v20 =	vld.idx.msk [tilespmem:v20+s4+$0x0], $0xffff  }
0x22a: {  	v21 =	vld.idx.msk [tilespmem:v21+s4+$0x0], $0xffff  }
0x22b: {  	v22 =	vld.idx.msk [tilespmem:v22+s4+$0x0], $0xffff;
	_ =	sdelay $0x3  }
.Ltmp7:
0x22c: {  	v19 =	vadd.bf16 v20, v19;
	(pc) =	sbr.rel @p0 .LBB2_17-.Ltmp7, $4  }
0x22d: {  	_ = 	snop  }
0x22e: {  	v20 =	vadd.bf16 v21, v19  }
0x22f: {  	v19 =	vor.u32 s11, v16  }
0x230: {  	v21 =	vadd.bf16 v22, v20;
	v20 =	vor.u32 s11, v17  }
0x231: {  	s31 =	sadd.s32 $0x1, s31  }
0x232: {  	v18 =	vmul.bf16 v21, v18;
	p0 =	sne.s32 s31, $0x19  }
.Ltmp8:
0x233: {  	s0 =	sadd.s32 s5, s18;
	(pc) =	sbr.rel @p0 .LBB2_10-.Ltmp8, $4  }
0x234: {  	s0 =	sshll.u32 s0, $0x5;
	v21 =	vunpack.i.l.bf16.f32 v18  }
0x235: {  	s8 =	sadd.s32 $0x100, s8;
	s10 =	sadd.s32 $0x100, s10;
	s0 =	sand.u32 $0x1FFFFC00, s0;
	v18 =	vunpack.i.u.bf16.f32 v18;
	[tilespmem:v19+s28+$0x0] =	vst.idx.msk $0xffff, v21  }
0x236: {  	s16 =	sadd.s32 $0x100, s16;
	s17 =	sadd.s32 $0x100, s17;
	s0 =	sadd.s32 s3, s0;
	[tilespmem:v20+s28+$0x0] =	vst.idx.msk $0xffff, v18  }
0x237: {  	[hbm4b:s0+s4] =	stream.linear.scatter [tilespmem:s28], [sflag:$0x6], $0x2000, $0x38;
	[tilespmem:$0x1AD60] =	vst v63  }
0x238: {  	_ =	swait.ge [sflag:s29], $0x2000  }
0x239: {  	s30 =	sadd.s32 $0x1, s30;
	s0 =	rddreg [dreg:$0x6]  }
0x23a: {  	p0 =	sne.s32 s30, s0  }
.Ltmp9:
0x23b: {  	_ = 	snop;
	(pc) =	sbr.rel @p0 .LBB2_1-.Ltmp9, $3  }
0x23c: {  	_ =	sdelay $0x1  }
0x23d: {  	[sflag:s29] =	ssyncset.done $0x0  }
0x23e: {  	s10 =	simm.s32 $0xFC00;
	[sflag:s29] =	ssyncadd.s32 $0xFFFFE000  }
0x23f: {  	_ =	sfence.sel $0x180000  }
0x240: {  	[bflag:$0x0] =	sbarrier.arrive $0xFFFF  }
0x241: {  	_ =	strace $0x90000047  }
0x242: {  	s0 =	stileid.u32;
	[bflag:$0x2] =	sbarrier.arrive $0xFFFF  }
0x243: {  	p0 =	sne.s32 s0, $0x0;
	s0 =	rddreg [dreg:$0x3]  }
0x244: {  	s0 =	sadd.s32 @!p0 $0x100000, s0  }
0x245: {  	[sflag:s0] =	ssyncadd.tile.s32 @!p0 $0x1;
	_ =	shalt  }
.Lfunc_end2:
_tile_overlayer_lowered:
.L_overlay_start_2:
0x246: {  	(tag) =	ssettag $0x2  }
0x247: {  	s0 =	rddreg [dreg:$0x0];
	s2 =	stileid.u32  }
0x248: {  	s1 =	rddreg [dreg:$0x1];
	p0 =	sne.s32 s2, $0x0  }
0x249: {  	s3 =	rddreg [dreg:$0x2];
	[bflag:$0x3] =	sbarrier.arrive $0xFFFF;
	s2 =	simm.s32 @!p0 $0x1C07  }
0x24a: {  	[timem:s3], [sflag:s2] =	dma.local @!p0 [hbm:s0], s1  }
0x24b: {  	s0 =	simm.s32 @!p0 $0x7  }
0x24c: {  	_ =	swait.ge @!p0 [sflag:s0], s1  }
0x24d: {  	s1 =	ssub.s32 @!p0 $0x0, s1;
	[sflag:s0] =	ssyncset.done @!p0 $0x0  }
0x24e: {  	[sflag:s0] =	ssyncadd.s32 @!p0 s1  }
0x24f: {  	[bflag:$0x3] =	sbarrier.arrive $0xFFFF  }
0x250: {  	_ =	shalt  }

// kernel: sparse-core-data-format-call.cloned.1.call-start
scs
called_computation_lowered:
.L_overlay_start_0:
0x0: {  	s2 =	sld [smem:$0x3FD9]  }
0x1: {  	s3 =	sld [smem:$0x3FFE];
	_ =	sdelay $0x1  }
0x2: {  	s1 =	srdreg.scid  }
0x3: {  	s0 =	sand.u32 $0x1, s1  }
0x4: {  	s18 =	sshll.u32 s0, $0xA;
	s2 =	sadd.s32 s3, s2  }
0x5: {  	s2 =	sadd.s32 s2, s18  }
0x6: {  	[smem:$0x3FC3] =	sst s2  }
0x7: {  	_ = 	snop  }
0x8: {  	s2 =	sld [smem:$0x3FD0];
	(tm) =	ssettm $0x1  }
0x9: {  	s19 =	sld [smem:$0x3FFB];
	_ =	sdelay $0x3  }
0xa: {  	_ =	strace s19  }
0xb: {  	s3 =	sld [smem:$0x3FFC];
	_ =	sdelay $0x3  }
0xc: {  	_ =	strace s3  }
0xd: {  	s3 =	sld [smem:$0x3FFD];
	_ =	sdelay $0x3  }
0xe: {  	_ =	strace s3  }
0xf: {  	_ =	strace $0x8FFFFFFF  }
0x10: {  	s20 =	sld [smem:$0x3FDB];
	_ =	sdelay $0x1  }
0x11: {  	s4 =	simm.s32 $_scs_section_size  }
0x12: {  	s5 =	simm.s32 $_size__tile_overlayer_lowered;
	s6 =	simm.s32 $_tile_overlayer_lowered  }
0x13: {  	s23 =	simm.s32 $0x1BFF;
	s22 =	sshll.u32 s6, $0x1;
	s3 =	sadd.s32 s4, s20  }
0x14: {  	s7 =	simm.s32 $0x0;
	s21 =	sshll.u32 s5, $0x1;
	s5 =	sadd.s32 s22, s3  }
0x15: {  	[timem:s7], [sflag:s23] =	dma.local [hbm:s5], s21  }
0x16: {  	_ =	swait.ge [sflag:s23], s21  }
0x17: {  	s4 =	ssub.s32 $0x0, s21;
	[sflag:s23] =	ssyncset.done $0x0  }
0x18: {  	[sflag:s23] =	ssyncadd.s32 s4;
	_ =	sdelay $0x1  }
0x19: {  	s24 =	simm.s32 $0x1B8B  }
0x1a: {  	_ =	swait.ge [sflag:s24], $0x1  }
0x1b: {  	[sflag:s24] =	ssyncset.done $0x0  }
0x1c: {  	s26 =	simm.s32 $0x1B8E;
	s25 =	sld [smem:$0x3FFE];
	[sflag:s24] =	ssyncadd.s32 $0xFFFFFFFF  }
0x1d: {  	s27 =	simm.s32 $execute0_lowered;
	[smem:$0x3FD2] =	sst s26  }
0x1e: {  	s5 =	sshll.u32 s27, $0x1;
	_ =	strace $0x80000049;
	[dreg:$0x1] =	wrdreg $0xFFFFFFFF  }
0x1f: {  	s28 =	simm.s32 $_size_execute0_lowered;
	s3 =	sadd.s32 s3, s5;
	[dreg:$0x0] =	wrdreg $0x0  }
0x20: {  	s5 =	sshll.u32 s28, $0x1;
	[dreg:$0x2] =	wrdreg s3  }
0x21: {  	[dreg:$0x3] =	wrdreg s5  }
0x22: {  	[dreg:$0x4] =	wrdreg $0xC0  }
0x23: {  	_ =	task [dreg:s7], $0x5FFFF  }
0x24: {  	[dreg:$0x1] =	wrdreg $0xFFFFFFFF  }
0x25: {  	[dreg:$0x0] =	wrdreg $0x60  }
0x26: {  	[dreg:$0x2] =	wrdreg s25  }
0x27: {  	[dreg:$0x3] =	wrdreg s2  }
0x28: {  	[dreg:$0x4] =	wrdreg $0x9  }
0x29: {  	_ =	task.clear_ibuf [dreg:s7], $0x5FFFF;
	_ =	strace $0x90000049  }
0x2a: {  	s29 =	simm.s32 $0x9;
	_ =	strace $0x8000004B  }
0x2b: {  	_ =	swait.ge [sflag:s29], $0x1  }
0x2c: {  	[sflag:s29] =	ssyncadd.s32 $0xFFFFFFFF  }
0x2d: {  	_ =	strace $0x9000004B  }
0x2e: {  	_ =	sfence  }
0x2f: {  	s30 =	sld [smem:$0x0];
	_ =	sdelay $0x2  }
0x30: {  	s31 =	sshll.u32 s1, $0xD;
	s1 =	sshrl.u32 s1, $0x2  }
0x31: {  	s3 =	sand.u32 $0x4000, s31;
	s1 =	sadd.s32 s1, s30  }
0x32: {  	s0 =	sor.u32 s3, s0;
	s1 =	sshll.u32 s1, $0x11  }
0x33: {  	s0 =	sor.u32 s1, s0  }
0x34: {  	s0 =	sadd.s32 $0x8F2B, s0  }
0x35: {  	[sflag:s0] =	ssyncadd.remote.s32 $0x1  }
0x36: {  	_ =	sfence.sel $0xFFFF  }
0x37: {  	[dreg:$0x0] =	wrdreg $0xFFFFFFFF;
	(pc) =	sbr.abs _section_cstart, $3  }
0x38: {  	[dreg:$0x1] =	wrdreg $0xFFFFFFFF  }
0x39: {  	_ =	task.clear_ibuf [dreg:s7], $0x2FFFF;
	_ =	strace $0x9FFFFFFF  }
0x3a: {  	(tm) =	ssettm $0x7FFFFFFF  }
0x3b: {  	_ =	shalt  }
tec
execute0_lowered:
.L_overlay_start_1:
0x0: {  	(tag) =	ssettag $0x1  }
0x1: {  	s0 =	stileid.u32;
	s8 =	rddreg [dreg:$0x0]  }
0x2: {  	s2 =	rddreg [dreg:$0x1];
	s5 =	srdreg.scid  }
0x3: {  	s31 =	simm.s32 $0x2;
	s19 =	simm.s32 $0x0;
	s12 =	simm.s32 $0x800  }
0x4: {  	s13 =	simm.s32 $0x0;
	s17 =	simm.s32 $0x0;
	s1 =	sshll.u32 s0, $0x7  }
0x5: {  	s18 =	simm.s32 $0x0;
	s16 =	simm.s32 $0x0;
	s3 =	sand.u32 $0x380, s1  }
0x6: {  	s4 =	sshrl.u32 s0, $0x3;
	s5 =	sshll.u32 s5, $0x7;
	s6 =	ssub.s32 $0x400, s3  }
0x7: {  	s5 =	sand.u32 $0x80, s5;
	s9 =	ssub.s32 $0x32, s4;
	s7 =	sand.u32 $0x380, s6  }
0x8: {  	s10 =	sshrl.u32 s9, $0x1;
	p0 =	sne.s32 s7, $0x0;
	s7 =	simm.s32 $0x1  }
0x9: {  	s9 =	sand.u32 $0x1, s9;
	s6 =	sshrl.u32 s6, $0xA;
	s7 =	simm.s32 @!p0 $0x0  }
0xa: {  	s11 =	ssub.s32 $0x100, s5;
	s28 =	sadd.s32 s9, s10;
	s6 =	sadd.s32 s7, s6  }
0xb: {  	s8 =	sadd.s32 $0xA00, s8;
	s29 =	sshrl.u32 s11, $0x7;
	s7 =	smul.u32 s28, s6  }
.Ltmp0:
0xc: {  	s30 =	sshrl.u32 s11, $0x8;
	s9 =	sand.u32 $0x1, s29;
	(pc) =	sbr.rel .LBB1_1-.Ltmp0, $4  }
0xd: {  	s1 =	rddreg [dreg:$0x2];
	_ =	strace $0x8000004A;
	s9 =	sadd.s32 s30, s9  }
0xe: {  	s14 =	smov.u32 s4;
	s6 =	simm.s32 $0x1;
	s7 =	smul.u32 s9, s7  }
0xf: {  	s15 =	smov.u32 s3;
	s11 =	simm.s32 $0x400;
	[sflag:s6] =	ssyncpa.u1 $0x0  }
0x10: {  	[sflag:s31] =	ssyncpa.u1 $0x0;
	s9 =	sshll.u32 s5, $0x3;
	s10 =	sadd.s32 $0x1, s7  }
.LBB1_4:
0x11: {  	_ =	sdelay $0x3  }
0x12: {  	[tilespmem:v0+s22+$0xFFFFFFD0 ss:$0x1] =	vst.idx.msk $0xffff, v6  }
0x13: {  	v56 =	vld.idx.msk [tilespmem:v1+s21+$0x0 ss:$0x1], $0xffff;
	[tilespmem:v0+s22+$0xFFFFFFE0 ss:$0x1] =	vst.idx.msk $0xffff, v4  }
0x14: {  	v57 =	vld.idx.msk [tilespmem:v1+s21+$0xFFFFFF90 ss:$0x1], $0xffff;
	[tilespmem:v0+s22+$0xFFFFFFF0 ss:$0x1] =	vst.idx.msk $0xffff, v2  }
0x15: {  	v58 =	vld.idx.msk [tilespmem:v1+s21+$0xFFFFFFA0 ss:$0x1], $0xffff;
	[tilespmem:v0+s22+$0x0 ss:$0x1] =	vst.idx.msk $0xffff, v3  }
0x16: {  	v59 =	vld.idx.msk [tilespmem:v1+s21+$0xFFFFFFB0 ss:$0x1], $0xffff;
	[tilespmem:v0+s22+$0x10 ss:$0x1] =	vst.idx.msk $0xffff, v5  }
0x17: {  	v60 =	vld.idx.msk [tilespmem:v1+s21+$0xFFFFFFC0 ss:$0x1], $0xffff;
	[tilespmem:v0+s22+$0x20 ss:$0x1] =	vst.idx.msk $0xffff, v7  }
0x18: {  	v61 =	vld.idx.msk [tilespmem:v1+s21+$0xFFFFFFD0 ss:$0x1], $0xffff;
	[tilespmem:v0+s21+$0x30 ss:$0x1] =	vst.idx.msk $0xffff, v56  }
0x19: {  	v62 =	vld.idx.msk [tilespmem:v1+s21+$0xFFFFFFE0 ss:$0x1], $0xffff;
	s29 =	sshll.u32 s18, $0x8;
	[tilespmem:v0+s21+$0xFFFFFFC0 ss:$0x1] =	vst.idx.msk $0xffff, v57  }
0x1a: {  	v63 =	vld.idx.msk [tilespmem:v1+s21+$0xFFFFFFF0 ss:$0x1], $0xffff;
	s19 =	sshll.u32 s19, $0x3;
	s23 =	sshll.u32 s18, $0x7;
	s22 =	sand.u32 $0x3F800, s29;
	[tilespmem:v0+s21+$0xFFFFFFD0 ss:$0x1] =	vst.idx.msk $0xffff, v58  }
0x1b: {  	s30 =	sand.u32 $0x300, s23;
	s19 =	sor.u32 s22, s19;
	[tilespmem:v0+s21+$0xFFFFFFE0 ss:$0x1] =	vst.idx.msk $0xffff, v59  }
0x1c: {  	s17 =	sshll.u32 s17, $0xF;
	s31 =	sshll.u32 s18, $0x4;
	s19 =	sor.u32 s30, s19;
	[tilespmem:v0+s21+$0xFFFFFFF0 ss:$0x1] =	vst.idx.msk $0xffff, v60  }
0x1d: {  	s18 =	sand.u32 $0x10, s31;
	s17 =	sadd.s32 s2, s17;
	s19 =	sshrl.u32 s19, $0x3;
	[tilespmem:v0+s21+$0x0 ss:$0x1] =	vst.idx.msk $0xffff, v61  }
0x1e: {  	s17 =	sadd.s32 s18, s17;
	[tilespmem:v0+s21+$0x10 ss:$0x1] =	vst.idx.msk $0xffff, v62;
	s19 =	sand.u32 $0x7FE0, s19  }
0x1f: {  	[tilespmem:v0+s21+$0x20 ss:$0x1] =	vst.idx.msk $0xffff, v63;
	s17 =	sadd.s32 s19, s17  }
0x20: {  	[hbm4b:s17+s11] =	stream.strided.scatter [tilespmem:s20], [sflag:$0x2], $0x4000, s12, s11, $0x38;
	[tilespmem:$0x10000] =	vst v63  }
.LBB1_5:
0x21: {  	s20 =	sadd.s32 $0x2, s14  }
0x22: {  	s17 =	sadd.s32 $0x400, s15;
	s21 =	smov.u32 s15;
	p1 =	sgt.s32 s20, $0x31  }
0x23: {  	s21 =	smov.u32 @p1 s17  }
0x24: {  	s20 =	smov.u32 @p1 s4;
	p1 =	sgt.s32 s21, $0x3FF  }
0x25: {  	s21 =	smov.u32 @p1 s3;
	p1 =	sne.s32 s16, s10  }
.Ltmp1:
0x26: {  	p0 =	slt.u32 s16, $0x2;
	(pc) =	sbr.rel @!p1 .LBB1_6-.Ltmp1, $4  }
0x27: {  	s18 =	smov.u32 s15;
	s19 =	simm.s32 @!p0 $0x2  }
0x28: {  	s13 =	sadd.s32 $0x4000, s13;
	_ =	swait.ge @!p0 [sflag:s19], $0x4000;
	s17 =	smov.u32 s14  }
0x29: {  	[sflag:s19] =	ssyncset.done @!p0 $0x0;
	s14 =	smov.u32 s20;
	s16 =	sadd.s32 $0x1, s16  }
0x2a: {  	[sflag:s19] =	ssyncadd.s32 @!p0 $0xFFFFC000;
	s19 =	smov.u32 s5;
	s15 =	smov.u32 s21  }
.LBB1_1:
0x2b: {  	p0 =	sge.u32 s16, s7  }
0x2c: {  	s20 =	sshll.u32 @!p0 s14, $0x8  }
0x2d: {  	s21 =	sshll.u32 @!p0 s14, $0x7;
	s20 =	sand.u32 @!p0 $0xFFFFF800, s20  }
0x2e: {  	s21 =	sand.u32 @!p0 $0x300, s21;
	s20 =	sor.u32 @!p0 s9, s20  }
0x2f: {  	s20 =	sor.u32 @!p0 s21, s20  }
0x30: {  	s20 =	sshrl.u32 @!p0 s20, $0x8  }
0x31: {  	s21 =	smulhi.u32 @!p0 $0x4924925, s20;
	_ =	sdelay $0x1  }
0x32: {  	s21 =	smul.u32 @!p0 $0x38, s21  }
0x33: {  	s31 =	sadd.s32 $0xFFFFFFFF, s16;
	s22 =	smul.u32 @!p0 $0x700, s15  }
0x34: {  	s23 =	sxor.u32 @!p0 $0xFFFFFFFF, s16;
	s20 =	ssub.s32 @!p0 s20, s21;
	s21 =	sshll.u32 @!p0 s14, $0x4  }
0x35: {  	s23 =	sshll.u32 @!p0 s23, $0xE;
	s22 =	sadd.s32 @!p0 s8, s22;
	s21 =	sand.u32 @!p0 $0x10, s21  }
0x36: {  	s23 =	sand.u32 @!p0 $0x4000, s23;
	s20 =	sshll.u32 @!p0 s20, $0x5;
	s21 =	sadd.s32 @!p0 s21, s22  }
0x37: {  	s22 =	simm.s32 @!p0 $0x3800;
	s20 =	sadd.s32 @!p0 s20, s21;
	s21 =	simm.s32 @!p0 $0x80  }
0x38: {  	[tilespmem:s23], [sflag:$0x1] =	stream.strided.gather @!p0 [hbm4b:s20+s21], $0x4000, s22, s21, $0x38;
	[tilespmem:$0x10000] =	vst v63  }
0x39: {  	p0 =	sge.u32 s31, s7  }
.Ltmp2:
0x3a: {  	_ = 	snop;
	(pc) =	sbr.rel @p0 .LBB1_5-.Ltmp2, $1  }
0x3b: {  	_ =	sdelay $0x3  }
0x3c: {  	s20 =	sand.u32 $0x4000, s13  }
0x3d: {  	s21 =	sor.u32 $0x70, s20  }
0x3e: {  	v1 =	vmov s21;
	_ =	sdelay $0x1  }
0x3f: {  	_ =	swait.ge [sflag:s6], $0x4000  }
0x40: {  	[sflag:s6] =	ssyncset.done $0x0  }
0x41: {  	s22 =	simm.s32 $0x0;
	[sflag:s6] =	ssyncadd.s32 $0xFFFFC000  }
0x42: {  	s20 =	sor.u32 $0x8040, s20;
	v7 =	vld.idx.msk [tilespmem:v1+s22+$0x0 ss:$0x1], $0xffff  }
0x43: {  	v0 =	vmov s20;
	v8 =	vld.idx.msk [tilespmem:v1+s22+$0xFFFFFF90 ss:$0x1], $0xffff  }
0x44: {  	v6 =	vld.idx.msk [tilespmem:v1+s22+$0xFFFFFFA0 ss:$0x1], $0xffff  }
0x45: {  	v4 =	vld.idx.msk [tilespmem:v1+s22+$0xFFFFFFB0 ss:$0x1], $0xffff  }
0x46: {  	v2 =	vld.idx.msk [tilespmem:v1+s22+$0xFFFFFFC0 ss:$0x1], $0xffff  }
0x47: {  	s31 =	sshll.u32 s16, $0xE;
	v3 =	vld.idx.msk [tilespmem:v1+s22+$0xFFFFFFD0 ss:$0x1], $0xffff  }
0x48: {  	s20 =	sand.u32 $0x4000, s31;
	v5 =	vld.idx.msk [tilespmem:v1+s22+$0xFFFFFFE0 ss:$0x1], $0xffff;
	[tilespmem:v0+s22+$0x30 ss:$0x1] =	vst.idx.msk $0xffff, v7  }
0x49: {  	s23 =	simm.s32 $0x400;
	s21 =	simm.s32 $0x80;
	s20 =	sor.u32 $0x8000, s20;
	[tilespmem:v0+s22+$0xFFFFFFC0 ss:$0x1] =	vst.idx.msk $0xffff, v8;
	v7 =	vld.idx.msk [tilespmem:v1+s22+$0xFFFFFFF0 ss:$0x1], $0xffff  }
.LBB1_3:
0x4a: {  	p0 =	sne.s32 s23, $0xFE00;
	v8 =	vld.idx.msk [tilespmem:v1+s21+$0x0 ss:$0x1], $0xffff;
	[tilespmem:v0+s22+$0xFFFFFFD0 ss:$0x1] =	vst.idx.msk $0xffff, v6  }
0x4b: {  	v9 =	vld.idx.msk [tilespmem:v1+s21+$0xFFFFFF90 ss:$0x1], $0xffff;
	[tilespmem:v0+s22+$0xFFFFFFE0 ss:$0x1] =	vst.idx.msk $0xffff, v4  }
0x4c: {  	v6 =	vld.idx.msk [tilespmem:v1+s21+$0xFFFFFFA0 ss:$0x1], $0xffff;
	[tilespmem:v0+s22+$0xFFFFFFF0 ss:$0x1] =	vst.idx.msk $0xffff, v2  }
.Ltmp3:
0x4d: {  	v4 =	vld.idx.msk [tilespmem:v1+s21+$0xFFFFFFB0 ss:$0x1], $0xffff;
	[tilespmem:v0+s22+$0x0 ss:$0x1] =	vst.idx.msk $0xffff, v3;
	(pc) =	sbr.rel @p0 .LBB1_3-.Ltmp3, $4  }
0x4e: {  	v2 =	vld.idx.msk [tilespmem:v1+s21+$0xFFFFFFC0 ss:$0x1], $0xffff;
	[tilespmem:v0+s22+$0x10 ss:$0x1] =	vst.idx.msk $0xffff, v5  }
0x4f: {  	v3 =	vld.idx.msk [tilespmem:v1+s21+$0xFFFFFFD0 ss:$0x1], $0xffff;
	[tilespmem:v0+s22+$0x20 ss:$0x1] =	vst.idx.msk $0xffff, v7;
	s22 =	smov.u32 s21  }
0x50: {  	v5 =	vld.idx.msk [tilespmem:v1+s22+$0xFFFFFFE0 ss:$0x1], $0xffff;
	[tilespmem:v0+s22+$0x30 ss:$0x1] =	vst.idx.msk $0xffff, v8  }
0x51: {  	s21 =	sshra.s32 s23, $0x2;
	s23 =	sadd.s32 $0x200, s23;
	[tilespmem:v0+s22+$0xFFFFFFC0 ss:$0x1] =	vst.idx.msk $0xffff, v9;
	v7 =	vld.idx.msk [tilespmem:v1+s22+$0xFFFFFFF0 ss:$0x1], $0xffff  }
.Ltmp4:
0x52: {  	_ = 	snop;
	(pc) =	sbr.rel .LBB1_4-.Ltmp4, $1  }
0x53: {  	_ =	sdelay $0x3  }
.LBB1_6:
0x54: {  	_ =	sfence.sel $0x180000  }
0x55: {  	s2 =	simm.s32 $0x1;
	[bflag:$0x0] =	sbarrier.arrive $0xFFFF  }
0x56: {  	s31 =	simm.s32 $0x2;
	[sflag:s2] =	ssyncpa.u1 $0x1  }
0x57: {  	[sflag:s31] =	ssyncpa.u1 $0x1  }
0x58: {  	p0 =	sne.s32 s0, $0x0;
	_ =	strace $0x9000004A  }
0x59: {  	s0 =	sadd.s32 @!p0 $0x100000, s1;
	[bflag:$0x2] =	sbarrier.arrive $0xFFFF  }
0x5a: {  	[sflag:s0] =	ssyncadd.tile.s32 @!p0 $0x1;
	_ =	shalt  }
.Lfunc_end1:
_tile_overlayer_lowered:
.L_overlay_start_2:
0x5b: {  	(tag) =	ssettag $0x2  }
0x5c: {  	s0 =	rddreg [dreg:$0x0];
	s2 =	stileid.u32  }
0x5d: {  	s1 =	rddreg [dreg:$0x1];
	p0 =	sne.s32 s2, $0x0  }
0x5e: {  	s3 =	rddreg [dreg:$0x2];
	[bflag:$0x3] =	sbarrier.arrive $0xFFFF;
	s2 =	simm.s32 @!p0 $0x1C01  }
0x5f: {  	[timem:s3], [sflag:s2] =	dma.local @!p0 [hbm:s0], s1  }
0x60: {  	s0 =	simm.s32 @!p0 $0x1  }
0x61: {  	_ =	swait.ge @!p0 [sflag:s0], s1  }
0x62: {  	s1 =	ssub.s32 @!p0 $0x0, s1;
	[sflag:s0] =	ssyncset.done @!p0 $0x0  }
0x63: {  	[sflag:s0] =	ssyncadd.s32 @!p0 s1  }
0x64: {  	[bflag:$0x3] =	sbarrier.arrive $0xFFFF  }
0x65: {  	_ =	shalt  }

</sc_bundles>
